<compile_context>
chip_gen: v7x
topology: tpu7x:2x2x1
jax: 0.10.2.dev20260603
libtpu: 0.0.44.dev20260713+nightly
codegen_flags: <defaults>
</compile_context>

<pallas_src>
import functools

import jax
import jax.numpy as jnp
from jax import lax
from jax.experimental import pallas as pl
from jax.experimental.pallas import tpu as pltpu
from jax.experimental.pallas import tpu_sc as plsc

B, P, H, W = 16, 4, 64, 128
N = B * P * H * W
D = 256
NC, NS = 2, 16
NW = NC * NS
NT = N // NW
C = 64
IB = 4096
CB = IB // C
QB = CB // 4
NBLK = NT // IB
R2 = 80
R1 = 300


def _prep_body(c_ref, n_ref, l_ref, num_ref, p_ref, w_ref, dk_ref, b_ref,
               t1_ref, t2_ref):
    dk = dk_ref[...]
    t1_ref[...] = jnp.dot(c_ref[...], dk[0:64, :],
                          preferred_element_type=jnp.float32)
    n_proj = jnp.dot(n_ref[...], dk[64:80, :],
                     preferred_element_type=jnp.float32)
    l_proj = jnp.dot(l_ref[...], dk[80:112, :],
                     preferred_element_type=jnp.float32)
    num_proj = jnp.dot(num_ref[...], dk[112:144, :],
                       preferred_element_type=jnp.float32)
    p_proj = jnp.dot(p_ref[...], dk[144:176, :],
                     preferred_element_type=jnp.float32)
    w_proj = jnp.dot(w_ref[...], dk[176:208, :],
                     preferred_element_type=jnp.float32)

    idx = lax.broadcasted_iota(jnp.int32, (R2, 1), 0)
    nb = idx // 16
    lbit = (idx // 8) % 2
    nbit = (idx // 4) % 2
    pbit = (idx // 2) % 2
    wbit = idx % 2

    acc = b_ref[...]
    for k in range(5):
        acc = acc + jnp.where(nb == k, 1.0, 0.0) * n_proj[k:k + 1, :]
    acc = acc + jnp.where(lbit == 1, l_proj[1:2, :], l_proj[0:1, :])
    acc = acc + jnp.where(nbit == 1, num_proj[1:2, :], num_proj[0:1, :])
    acc = acc + jnp.where(pbit == 1, p_proj[1:2, :], p_proj[0:1, :])
    acc = acc + jnp.where(wbit == 1, w_proj[1:2, :], w_proj[0:1, :])
    t2_ref[...] = acc


def _prep_tables(c_table, n_table, l_table, num_table, p_table, w_table,
                 dense_kernel, dense_bias):
    return pl.pallas_call(
        _prep_body,
        out_shape=[
            jax.ShapeDtypeStruct((R1, D), jnp.float32),
            jax.ShapeDtypeStruct((R2, D), jnp.float32),
        ],
    )(c_table, n_table, l_table, num_table, p_table, w_table,
      dense_kernel, dense_bias.reshape(1, D))


def _sum_body(t1_ref, t2_ref, t12_ref):
    t12_ref[...] = t2_ref[...][:, None, :] + t1_ref[...][None, :, :]


def _sum_tables(t1, t2):
    return pl.pallas_call(
        _sum_body,
        grid=(R2 // 8,),
        in_specs=[
            pl.BlockSpec((R1, D), lambda j: (0, 0)),
            pl.BlockSpec((8, D), lambda j: (j, 0)),
        ],
        out_specs=pl.BlockSpec((8, R1, D), lambda j: (j, 0, 0)),
        out_shape=jax.ShapeDtypeStruct((R2, R1, D), jnp.float32),
    )(t1, t2)


def _sc_body(cc, nb, il, inum, ip, iw, t12, out,
             cc_v, nb_v, il_v, in_v, ip_v, iw_v, i_b,
             buf0, buf1, buf2, buf3, semIdx,
             g0, g1, g2, g3, o0, o1, o2, o3):
    wid = lax.axis_index("s") * NC + lax.axis_index("c")
    base0 = wid * NT

    def issue_gather(cl, buf, gsem):
        pltpu.async_copy(t12.at[i_b.at[pl.ds(cl * C, C)]], buf, gsem)

    def wait_gather(buf, gsem):
        pltpu.make_async_copy(t12.at[i_b.at[pl.ds(0, C)]], buf, gsem).wait()

    def writeout(cl, blk, buf, osem):
        base = base0 + blk * IB + cl * C
        pltpu.async_copy(buf, out.at[pl.ds(base, C)], osem)

    def wait_out(buf, osem):
        pltpu.make_async_copy(buf, out.at[pl.ds(0, C)], osem).wait()

    FULL = ((buf0, g0, o0), (buf1, g1, o1), (buf2, g2, o2), (buf3, g3, o3))
    SLOTS = tuple((b, o) for b, _, o in FULL)

    def block(blk, carry):
        bbase = base0 + blk * IB
        cps = [pltpu.async_copy(src.at[pl.ds(bbase, IB)], dst, semIdx)
               for src, dst in zip((cc, nb, il, inum, ip, iw),
                                   (cc_v, nb_v, il_v, in_v, ip_v, iw_v))]
        for cp in cps:
            cp.wait()

        def ixbody(j, carry2):
            sl = pl.ds(j * 16, 16)
            i_b[sl] = (nb_v[sl] * 16 + il_v[sl] * 8 + in_v[sl] * 4
                       + ip_v[sl] * 2 + iw_v[sl]) * R1 + lax.rem(cc_v[sl], R1)
            return carry2

        lax.fori_loop(0, IB // 16, ixbody, 0)

        @pl.when(blk > 0)
        def _():
            for buf, osem in SLOTS:
                wait_out(buf, osem)

        for m, (buf, gsem, osem) in enumerate(FULL):
            issue_gather(m, buf, gsem)

        def quad(q, carry2):
            c0 = 4 * q
            for m, (buf, gsem, osem) in enumerate(FULL):
                wait_gather(buf, gsem)
                writeout(c0 + m, blk, buf, osem)

            @pl.when(q < QB - 1)
            def _():
                for m, (buf, gsem, osem) in enumerate(FULL):
                    wait_out(buf, osem)
                    issue_gather(c0 + 4 + m, buf, gsem)

            return carry2

        lax.fori_loop(0, QB, quad, 0)
        return carry

    lax.fori_loop(0, NBLK, block, 0)
    for buf, osem in SLOTS:
        wait_out(buf, osem)


_sc_kernel = functools.partial(
    pl.kernel,
    mesh=plsc.VectorSubcoreMesh(core_axis_name="c", subcore_axis_name="s"),
    out_type=jax.ShapeDtypeStruct((N, D), jnp.float32),
    scratch_types=[
        pltpu.VMEM((IB,), jnp.int32),
        pltpu.VMEM((IB,), jnp.int32),
        pltpu.VMEM((IB,), jnp.int32),
        pltpu.VMEM((IB,), jnp.int32),
        pltpu.VMEM((IB,), jnp.int32),
        pltpu.VMEM((IB,), jnp.int32),
        pltpu.VMEM((IB,), jnp.int32),
        pltpu.VMEM((C, D), jnp.float32),
        pltpu.VMEM((C, D), jnp.float32),
        pltpu.VMEM((C, D), jnp.float32),
        pltpu.VMEM((C, D), jnp.float32),
        pltpu.SemaphoreType.DMA,
        pltpu.SemaphoreType.DMA,
        pltpu.SemaphoreType.DMA,
        pltpu.SemaphoreType.DMA,
        pltpu.SemaphoreType.DMA,
        pltpu.SemaphoreType.DMA,
        pltpu.SemaphoreType.DMA,
        pltpu.SemaphoreType.DMA,
        pltpu.SemaphoreType.DMA,
    ],
)(_sc_body)


def kernel(char_code, num_bytes, is_letter, is_number, is_punctuation,
           is_whitespace, c_table, n_table, l_table, num_table, p_table,
           w_table, dense_kernel, dense_bias):
    t1, t2 = _prep_tables(c_table, n_table, l_table, num_table, p_table,
                          w_table, dense_kernel, dense_bias)
    t12 = _sum_tables(t1, t2).reshape(R2 * R1, D)
    cc = char_code.reshape(N).astype(jnp.int32)
    nb = num_bytes.reshape(N).astype(jnp.int32)
    il = is_letter.reshape(N).astype(jnp.int32)
    inum = is_number.reshape(N).astype(jnp.int32)
    ip = is_punctuation.reshape(N).astype(jnp.int32)
    iw = is_whitespace.reshape(N).astype(jnp.int32)
    out = _sc_kernel(cc, nb, il, inum, ip, iw, t12)
    return out.reshape(B, P, H, W, D)

# --- scband reference (transcript-rebuilt; emitter-appended) ---
"""Pipeline reference for scband-event-projection-90254442758605 (READ-ONLY COPY).

The authoritative reference and input builder live on the scoring server;
editing this copy changes nothing except your own understanding.
"""

import jax, jax.numpy as jnp
import numpy as np

B, P, H, W = 16, 4, 64, 128
D_MODEL = 256
CONCAT_DIM = 64 + 16 + 32 * 4  # 208


def setup_inputs(seed: int = 0) -> dict:
    key = jax.random.key(seed)
    ks = jax.random.split(key, 16)
    shape = (B, P, H, W, 1)
    char_code = jax.random.randint(ks[0], shape, 0, 300, dtype=jnp.int32)
    num_bytes = jax.random.randint(ks[1], shape, 0, 5, dtype=jnp.int32)
    is_letter = jax.random.randint(ks[2], shape, 0, 2, dtype=jnp.int32)
    is_number = jax.random.randint(ks[3], shape, 0, 2, dtype=jnp.int32)
    is_punctuation = jax.random.randint(ks[4], shape, 0, 2, dtype=jnp.int32)
    is_whitespace = jax.random.randint(ks[5], shape, 0, 2, dtype=jnp.int32)
    c_table = jax.random.normal(ks[6], (300, 64), dtype=jnp.float32) * 0.02
    n_table = jax.random.normal(ks[7], (5, 16), dtype=jnp.float32) * 0.02
    l_table = jax.random.normal(ks[8], (2, 32), dtype=jnp.float32) * 0.02
    num_table = jax.random.normal(ks[9], (2, 32), dtype=jnp.float32) * 0.02
    p_table = jax.random.normal(ks[10], (2, 32), dtype=jnp.float32) * 0.02
    w_table = jax.random.normal(ks[11], (2, 32), dtype=jnp.float32) * 0.02
    dense_kernel = jax.random.normal(ks[12], (CONCAT_DIM, D_MODEL), dtype=jnp.float32) * 0.05
    dense_bias = jnp.zeros((D_MODEL,), dtype=jnp.float32)
    return {
        'char_code': char_code,
        'num_bytes': num_bytes,
        'is_letter': is_letter,
        'is_number': is_number,
        'is_punctuation': is_punctuation,
        'is_whitespace': is_whitespace,
        'c_table': c_table,
        'n_table': n_table,
        'l_table': l_table,
        'num_table': num_table,
        'p_table': p_table,
        'w_table': w_table,
        'dense_kernel': dense_kernel,
        'dense_bias': dense_bias,
    }


def reference(char_code, num_bytes, is_letter, is_number, is_punctuation,
              is_whitespace, c_table, n_table, l_table, num_table, p_table,
              w_table, dense_kernel, dense_bias):
    char_codes_i32 = char_code[..., 0].astype(jnp.int32)
    c_emb = jnp.take(c_table, char_codes_i32 % 300, axis=0)
    n_emb = jnp.take(n_table, num_bytes[..., 0], axis=0)
    is_l_emb = jnp.take(l_table, is_letter[..., 0].astype(jnp.int32), axis=0)
    is_n_emb = jnp.take(num_table, is_number[..., 0].astype(jnp.int32), axis=0)
    is_p_emb = jnp.take(p_table, is_punctuation[..., 0].astype(jnp.int32), axis=0)
    is_w_emb = jnp.take(w_table, is_whitespace[..., 0].astype(jnp.int32), axis=0)
    props = jnp.concatenate([c_emb, n_emb, is_l_emb, is_n_emb, is_p_emb, is_w_emb], axis=-1)
    return jnp.dot(props, dense_kernel) + dense_bias

if __name__ == "__main__":
    import jax
    _d = setup_inputs()
    print(jax.jit(kernel)(*tuple(_d.values())))

</pallas_src>

<mosaic_0001>
#map = affine_map<(d0, d1) -> (0)>
#map1 = affine_map<(d0, d1) -> (0, 0)>
module attributes {stable_mosaic.version = 14 : i64} {
  func.func @_sc_body(%arg0: i32, %arg1: i32, %arg2: memref<524288xi32, #tpu.memory_space<hbm>>, %arg3: memref<524288xi32, #tpu.memory_space<hbm>>, %arg4: memref<524288xi32, #tpu.memory_space<hbm>>, %arg5: memref<524288xi32, #tpu.memory_space<hbm>>, %arg6: memref<524288xi32, #tpu.memory_space<hbm>>, %arg7: memref<524288xi32, #tpu.memory_space<hbm>>, %arg8: memref<24000x256xf32, #tpu.memory_space<hbm>>, %arg9: memref<524288x256xf32, #tpu.memory_space<hbm>>, %arg10: memref<4096xi32, #tpu.memory_space<vmem>>, %arg11: memref<4096xi32, #tpu.memory_space<vmem>>, %arg12: memref<4096xi32, #tpu.memory_space<vmem>>, %arg13: memref<4096xi32, #tpu.memory_space<vmem>>, %arg14: memref<4096xi32, #tpu.memory_space<vmem>>, %arg15: memref<4096xi32, #tpu.memory_space<vmem>>, %arg16: memref<4096xi32, #tpu.memory_space<vmem>>, %arg17: memref<64x256xf32, #tpu.memory_space<vmem>>, %arg18: memref<64x256xf32, #tpu.memory_space<vmem>>, %arg19: memref<64x256xf32, #tpu.memory_space<vmem>>, %arg20: memref<64x256xf32, #tpu.memory_space<vmem>>, %arg21: memref<!tpu.dma_semaphore, #tpu.memory_space<semaphore_mem>>, %arg22: memref<!tpu.dma_semaphore, #tpu.memory_space<semaphore_mem>>, %arg23: memref<!tpu.dma_semaphore, #tpu.memory_space<semaphore_mem>>, %arg24: memref<!tpu.dma_semaphore, #tpu.memory_space<semaphore_mem>>, %arg25: memref<!tpu.dma_semaphore, #tpu.memory_space<semaphore_mem>>, %arg26: memref<!tpu.dma_semaphore, #tpu.memory_space<semaphore_mem>>, %arg27: memref<!tpu.dma_semaphore, #tpu.memory_space<semaphore_mem>>, %arg28: memref<!tpu.dma_semaphore, #tpu.memory_space<semaphore_mem>>, %arg29: memref<!tpu.dma_semaphore, #tpu.memory_space<semaphore_mem>>) attributes {dimension_semantics = [#tpu.dimension_semantics<core_parallel>, #tpu.dimension_semantics<subcore_parallel>], iteration_bounds = array<i64: 2, 16>, scalar_prefetch = 0 : i64, scratch_operands = 20 : i64, tpu.core_type = #tpu.core_type<sc_vector_subcore>, window_params = [{transform_indices = #map}, {transform_indices = #map}, {transform_indices = #map}, {transform_indices = #map}, {transform_indices = #map}, {transform_indices = #map}, {transform_indices = #map1}, {transform_indices = #map1}]} {
    %mul3A = arith.constant 2 : i32
    %mul3A_0 = arith.muli %arg1, %mul3A : i32
    %add3A = arith.addi %mul3A_0, %arg0 : i32
    %mul3A_1 = arith.constant 16384 : i32
    %mul3A_2 = arith.muli %add3A, %mul3A_1 : i32
    %scan3A = arith.constant 0 : i32
    %scan3A_3 = arith.constant 0 : i32
    %scan3A_4 = arith.constant 4 : i32
    %scan3A_5 = arith.addi %scan3A_3, %scan3A_4 : i32
    %scan3A_6 = arith.constant 1 : i32
    scf.for %scan3A_31 = %scan3A_3 to %scan3A_5 step %scan3A_6  : i32 {
      %mul3A_32 = arith.constant 4096 : i32
      %mul3A_33 = arith.muli %scan3A_31, %mul3A_32 : i32
      %add3A_34 = arith.addi %mul3A_2, %mul3A_33 : i32
      %dma_start3A = tpu.memref_slice %arg2[%add3A_34] : memref<524288xi32, #tpu.memory_space<hbm>> -> memref<4096xi32, #tpu.memory_space<hbm>>
      %dma_start3A_35 = tpu.memref_slice %arg2[%add3A_34] : memref<524288xi32, #tpu.memory_space<hbm>> -> memref<4096xi32, #tpu.memory_space<hbm>>
      tpu.enqueue_dma source(%dma_start3A_35 : memref<4096xi32, #tpu.memory_space<hbm>>) target(%arg10 : memref<4096xi32, #tpu.memory_space<vmem>>) target_semaphore(%arg21 : memref<!tpu.dma_semaphore, #tpu.memory_space<semaphore_mem>>)
      %dma_start3A_36 = tpu.memref_slice %arg3[%add3A_34] : memref<524288xi32, #tpu.memory_space<hbm>> -> memref<4096xi32, #tpu.memory_space<hbm>>
      %dma_start3A_37 = tpu.memref_slice %arg3[%add3A_34] : memref<524288xi32, #tpu.memory_space<hbm>> -> memref<4096xi32, #tpu.memory_space<hbm>>
      tpu.enqueue_dma source(%dma_start3A_37 : memref<4096xi32, #tpu.memory_space<hbm>>) target(%arg11 : memref<4096xi32, #tpu.memory_space<vmem>>) target_semaphore(%arg21 : memref<!tpu.dma_semaphore, #tpu.memory_space<semaphore_mem>>)
      %dma_start3A_38 = tpu.memref_slice %arg4[%add3A_34] : memref<524288xi32, #tpu.memory_space<hbm>> -> memref<4096xi32, #tpu.memory_space<hbm>>
      %dma_start3A_39 = tpu.memref_slice %arg4[%add3A_34] : memref<524288xi32, #tpu.memory_space<hbm>> -> memref<4096xi32, #tpu.memory_space<hbm>>
      tpu.enqueue_dma source(%dma_start3A_39 : memref<4096xi32, #tpu.memory_space<hbm>>) target(%arg12 : memref<4096xi32, #tpu.memory_space<vmem>>) target_semaphore(%arg21 : memref<!tpu.dma_semaphore, #tpu.memory_space<semaphore_mem>>)
      %dma_start3A_40 = tpu.memref_slice %arg5[%add3A_34] : memref<524288xi32, #tpu.memory_space<hbm>> -> memref<4096xi32, #tpu.memory_space<hbm>>
      %dma_start3A_41 = tpu.memref_slice %arg5[%add3A_34] : memref<524288xi32, #tpu.memory_space<hbm>> -> memref<4096xi32, #tpu.memory_space<hbm>>
      tpu.enqueue_dma source(%dma_start3A_41 : memref<4096xi32, #tpu.memory_space<hbm>>) target(%arg13 : memref<4096xi32, #tpu.memory_space<vmem>>) target_semaphore(%arg21 : memref<!tpu.dma_semaphore, #tpu.memory_space<semaphore_mem>>)
      %dma_start3A_42 = tpu.memref_slice %arg6[%add3A_34] : memref<524288xi32, #tpu.memory_space<hbm>> -> memref<4096xi32, #tpu.memory_space<hbm>>
      %dma_start3A_43 = tpu.memref_slice %arg6[%add3A_34] : memref<524288xi32, #tpu.memory_space<hbm>> -> memref<4096xi32, #tpu.memory_space<hbm>>
      tpu.enqueue_dma source(%dma_start3A_43 : memref<4096xi32, #tpu.memory_space<hbm>>) target(%arg14 : memref<4096xi32, #tpu.memory_space<vmem>>) target_semaphore(%arg21 : memref<!tpu.dma_semaphore, #tpu.memory_space<semaphore_mem>>)
      %dma_start3A_44 = tpu.memref_slice %arg7[%add3A_34] : memref<524288xi32, #tpu.memory_space<hbm>> -> memref<4096xi32, #tpu.memory_space<hbm>>
      %dma_start3A_45 = tpu.memref_slice %arg7[%add3A_34] : memref<524288xi32, #tpu.memory_space<hbm>> -> memref<4096xi32, #tpu.memory_space<hbm>>
      tpu.enqueue_dma source(%dma_start3A_45 : memref<4096xi32, #tpu.memory_space<hbm>>) target(%arg15 : memref<4096xi32, #tpu.memory_space<vmem>>) target_semaphore(%arg21 : memref<!tpu.dma_semaphore, #tpu.memory_space<semaphore_mem>>)
      %dma_wait3A_46 = tpu.memref_slice %arg2[%add3A_34] : memref<524288xi32, #tpu.memory_space<hbm>> -> memref<4096xi32, #tpu.memory_space<hbm>>
      %dma_wait3A_47 = tpu.memref_slice %arg2[%add3A_34] : memref<524288xi32, #tpu.memory_space<hbm>> -> memref<4096xi32, #tpu.memory_space<hbm>>
      tpu.wait_dma2 semaphore(%arg21 : memref<!tpu.dma_semaphore, #tpu.memory_space<semaphore_mem>>) src(%dma_wait3A_47 : memref<4096xi32, #tpu.memory_space<hbm>>) dst(%arg10 : memref<4096xi32, #tpu.memory_space<vmem>>)
      %dma_wait3A_48 = tpu.memref_slice %arg3[%add3A_34] : memref<524288xi32, #tpu.memory_space<hbm>> -> memref<4096xi32, #tpu.memory_space<hbm>>
      %dma_wait3A_49 = tpu.memref_slice %arg3[%add3A_34] : memref<524288xi32, #tpu.memory_space<hbm>> -> memref<4096xi32, #tpu.memory_space<hbm>>
      tpu.wait_dma2 semaphore(%arg21 : memref<!tpu.dma_semaphore, #tpu.memory_space<semaphore_mem>>) src(%dma_wait3A_49 : memref<4096xi32, #tpu.memory_space<hbm>>) dst(%arg11 : memref<4096xi32, #tpu.memory_space<vmem>>)
      %dma_wait3A_50 = tpu.memref_slice %arg4[%add3A_34] : memref<524288xi32, #tpu.memory_space<hbm>> -> memref<4096xi32, #tpu.memory_space<hbm>>
      %dma_wait3A_51 = tpu.memref_slice %arg4[%add3A_34] : memref<524288xi32, #tpu.memory_space<hbm>> -> memref<4096xi32, #tpu.memory_space<hbm>>
      tpu.wait_dma2 semaphore(%arg21 : memref<!tpu.dma_semaphore, #tpu.memory_space<semaphore_mem>>) src(%dma_wait3A_51 : memref<4096xi32, #tpu.memory_space<hbm>>) dst(%arg12 : memref<4096xi32, #tpu.memory_space<vmem>>)
      %dma_wait3A_52 = tpu.memref_slice %arg5[%add3A_34] : memref<524288xi32, #tpu.memory_space<hbm>> -> memref<4096xi32, #tpu.memory_space<hbm>>
      %dma_wait3A_53 = tpu.memref_slice %arg5[%add3A_34] : memref<524288xi32, #tpu.memory_space<hbm>> -> memref<4096xi32, #tpu.memory_space<hbm>>
      tpu.wait_dma2 semaphore(%arg21 : memref<!tpu.dma_semaphore, #tpu.memory_space<semaphore_mem>>) src(%dma_wait3A_53 : memref<4096xi32, #tpu.memory_space<hbm>>) dst(%arg13 : memref<4096xi32, #tpu.memory_space<vmem>>)
      %dma_wait3A_54 = tpu.memref_slice %arg6[%add3A_34] : memref<524288xi32, #tpu.memory_space<hbm>> -> memref<4096xi32, #tpu.memory_space<hbm>>
      %dma_wait3A_55 = tpu.memref_slice %arg6[%add3A_34] : memref<524288xi32, #tpu.memory_space<hbm>> -> memref<4096xi32, #tpu.memory_space<hbm>>
      tpu.wait_dma2 semaphore(%arg21 : memref<!tpu.dma_semaphore, #tpu.memory_space<semaphore_mem>>) src(%dma_wait3A_55 : memref<4096xi32, #tpu.memory_space<hbm>>) dst(%arg14 : memref<4096xi32, #tpu.memory_space<vmem>>)
      %dma_wait3A_56 = tpu.memref_slice %arg7[%add3A_34] : memref<524288xi32, #tpu.memory_space<hbm>> -> memref<4096xi32, #tpu.memory_space<hbm>>
      %dma_wait3A_57 = tpu.memref_slice %arg7[%add3A_34] : memref<524288xi32, #tpu.memory_space<hbm>> -> memref<4096xi32, #tpu.memory_space<hbm>>
      tpu.wait_dma2 semaphore(%arg21 : memref<!tpu.dma_semaphore, #tpu.memory_space<semaphore_mem>>) src(%dma_wait3A_57 : memref<4096xi32, #tpu.memory_space<hbm>>) dst(%arg15 : memref<4096xi32, #tpu.memory_space<vmem>>)
      %scan3A_58 = arith.constant 0 : i32
      %scan3A_59 = arith.constant 0 : i32
      %scan3A_60 = arith.constant 256 : i32
      %scan3A_61 = arith.addi %scan3A_59, %scan3A_60 : i32
      %scan3A_62 = arith.constant 1 : i32
      scf.for %scan3A_92 = %scan3A_59 to %scan3A_61 step %scan3A_62  : i32 {
        %mul3A_93 = arith.constant 16 : i32
        %mul3A_94 = arith.muli %scan3A_92, %mul3A_93 : i32
        %get3A = arith.index_cast %mul3A_94 : i32 to index
        %get3A_95 = tpu.vector_load %arg11[%get3A] {strides = array<i32>} : memref<4096xi32, #tpu.memory_space<vmem>>, vector<16xi32>,
        %get3A_96 = vector.shape_cast %get3A_95 : vector<16xi32> to vector<16xi32>
        %mul3A_97 = arith.constant 16 : i32
        %mul3A_98 = vector.broadcast %mul3A_97 : i32 to vector<16xi32>
        %mul3A_99 = arith.muli %get3A_96, %mul3A_98 : vector<16xi32>
        %get3A_100 = arith.index_cast %mul3A_94 : i32 to index
        %get3A_101 = tpu.vector_load %arg12[%get3A_100] {strides = array<i32>} : memref<4096xi32, #tpu.memory_space<vmem>>, vector<16xi32>,
        %get3A_102 = vector.shape_cast %get3A_101 : vector<16xi32> to vector<16xi32>
        %mul3A_103 = arith.constant 8 : i32
        %mul3A_104 = vector.broadcast %mul3A_103 : i32 to vector<16xi32>
        %mul3A_105 = arith.muli %get3A_102, %mul3A_104 : vector<16xi32>
        %add3A_106 = arith.addi %mul3A_99, %mul3A_105 : vector<16xi32>
        %get3A_107 = arith.index_cast %mul3A_94 : i32 to index
        %get3A_108 = tpu.vector_load %arg13[%get3A_107] {strides = array<i32>} : memref<4096xi32, #tpu.memory_space<vmem>>, vector<16xi32>,
        %get3A_109 = vector.shape_cast %get3A_108 : vector<16xi32> to vector<16xi32>
        %mul3A_110 = arith.constant 4 : i32
        %mul3A_111 = vector.broadcast %mul3A_110 : i32 to vector<16xi32>
        %mul3A_112 = arith.muli %get3A_109, %mul3A_111 : vector<16xi32>
        %add3A_113 = arith.addi %add3A_106, %mul3A_112 : vector<16xi32>
        %get3A_114 = arith.index_cast %mul3A_94 : i32 to index
        %get3A_115 = tpu.vector_load %arg14[%get3A_114] {strides = array<i32>} : memref<4096xi32, #tpu.memory_space<vmem>>, vector<16xi32>,
        %get3A_116 = vector.shape_cast %get3A_115 : vector<16xi32> to vector<16xi32>
        %mul3A_117 = arith.constant 2 : i32
        %mul3A_118 = vector.broadcast %mul3A_117 : i32 to vector<16xi32>
        %mul3A_119 = arith.muli %get3A_116, %mul3A_118 : vector<16xi32>
        %add3A_120 = arith.addi %add3A_113, %mul3A_119 : vector<16xi32>
        %get3A_121 = arith.index_cast %mul3A_94 : i32 to index
        %get3A_122 = tpu.vector_load %arg15[%get3A_121] {strides = array<i32>} : memref<4096xi32, #tpu.memory_space<vmem>>, vector<16xi32>,
        %get3A_123 = vector.shape_cast %get3A_122 : vector<16xi32> to vector<16xi32>
        %add3A_124 = arith.addi %add3A_120, %get3A_123 : vector<16xi32>
        %mul3A_125 = arith.constant 300 : i32
        %mul3A_126 = vector.broadcast %mul3A_125 : i32 to vector<16xi32>
        %mul3A_127 = arith.muli %add3A_124, %mul3A_126 : vector<16xi32>
        %get3A_128 = arith.index_cast %mul3A_94 : i32 to index
        %get3A_129 = tpu.vector_load %arg10[%get3A_128] {strides = array<i32>} : memref<4096xi32, #tpu.memory_space<vmem>>, vector<16xi32>,
        %get3A_130 = vector.shape_cast %get3A_129 : vector<16xi32> to vector<16xi32>
        %rem3A = arith.constant 300 : i32
        %rem3A_131 = vector.broadcast %rem3A : i32 to vector<16xi32>
        %rem3A_132 = arith.remsi %get3A_130, %rem3A_131 : vector<16xi32>
        %add3A_133 = arith.addi %mul3A_127, %rem3A_132 : vector<16xi32>
        %swap3A = arith.index_cast %mul3A_94 : i32 to index
        %swap3A_134 = tpu.vector_load %arg16[%swap3A] {strides = array<i32>} : memref<4096xi32, #tpu.memory_space<vmem>>, vector<16xi32>,
        %swap3A_135 = vector.shape_cast %swap3A_134 : vector<16xi32> to vector<16xi32>
        %swap3A_136 = vector.shape_cast %add3A_133 : vector<16xi32> to vector<16xi32>
        tpu.vector_store %arg16[%swap3A], %swap3A_136 {strides = array<i32>} : memref<4096xi32, #tpu.memory_space<vmem>>, vector<16xi32>,
      }
      %scan3A_63 = arith.constant 256 : i32
      %gt3A = arith.constant 0 : i32
      %gt3A_64 = arith.cmpi sgt, %scan3A_31, %gt3A : i32
      %convert_element_type3A = arith.extui %gt3A_64 : i1 to i32
      %cond3A = arith.constant 0 : i32
      %cond3A_65 = arith.cmpi ne, %convert_element_type3A, %cond3A : i32
      scf.if %cond3A_65 {
        %dma_wait3A_92 = arith.constant 0 : i32
        %dma_wait3A_93 = arith.constant 0 : i32
        %dma_wait3A_94 = tpu.memref_slice %arg9[%dma_wait3A_92, %dma_wait3A_93] : memref<524288x256xf32, #tpu.memory_space<hbm>> -> memref<64x256xf32, #tpu.memory_space<hbm>>
        %dma_wait3A_95 = arith.constant 0 : i32
        %dma_wait3A_96 = arith.constant 0 : i32
        %dma_wait3A_97 = tpu.memref_slice %arg9[%dma_wait3A_95, %dma_wait3A_96] : memref<524288x256xf32, #tpu.memory_space<hbm>> -> memref<64x256xf32, #tpu.memory_space<hbm>>
        tpu.wait_dma2 semaphore(%arg26 : memref<!tpu.dma_semaphore, #tpu.memory_space<semaphore_mem>>) src(%arg17 : memref<64x256xf32, #tpu.memory_space<vmem>>) dst(%dma_wait3A_97 : memref<64x256xf32, #tpu.memory_space<hbm>>)
        %dma_wait3A_98 = arith.constant 0 : i32
        %dma_wait3A_99 = arith.constant 0 : i32
        %dma_wait3A_100 = tpu.memref_slice %arg9[%dma_wait3A_98, %dma_wait3A_99] : memref<524288x256xf32, #tpu.memory_space<hbm>> -> memref<64x256xf32, #tpu.memory_space<hbm>>
        %dma_wait3A_101 = arith.constant 0 : i32
        %dma_wait3A_102 = arith.constant 0 : i32
        %dma_wait3A_103 = tpu.memref_slice %arg9[%dma_wait3A_101, %dma_wait3A_102] : memref<524288x256xf32, #tpu.memory_space<hbm>> -> memref<64x256xf32, #tpu.memory_space<hbm>>
        tpu.wait_dma2 semaphore(%arg27 : memref<!tpu.dma_semaphore, #tpu.memory_space<semaphore_mem>>) src(%arg18 : memref<64x256xf32, #tpu.memory_space<vmem>>) dst(%dma_wait3A_103 : memref<64x256xf32, #tpu.memory_space<hbm>>)
        %dma_wait3A_104 = arith.constant 0 : i32
        %dma_wait3A_105 = arith.constant 0 : i32
        %dma_wait3A_106 = tpu.memref_slice %arg9[%dma_wait3A_104, %dma_wait3A_105] : memref<524288x256xf32, #tpu.memory_space<hbm>> -> memref<64x256xf32, #tpu.memory_space<hbm>>
        %dma_wait3A_107 = arith.constant 0 : i32
        %dma_wait3A_108 = arith.constant 0 : i32
        %dma_wait3A_109 = tpu.memref_slice %arg9[%dma_wait3A_107, %dma_wait3A_108] : memref<524288x256xf32, #tpu.memory_space<hbm>> -> memref<64x256xf32, #tpu.memory_space<hbm>>
        tpu.wait_dma2 semaphore(%arg28 : memref<!tpu.dma_semaphore, #tpu.memory_space<semaphore_mem>>) src(%arg19 : memref<64x256xf32, #tpu.memory_space<vmem>>) dst(%dma_wait3A_109 : memref<64x256xf32, #tpu.memory_space<hbm>>)
        %dma_wait3A_110 = arith.constant 0 : i32
        %dma_wait3A_111 = arith.constant 0 : i32
        %dma_wait3A_112 = tpu.memref_slice %arg9[%dma_wait3A_110, %dma_wait3A_111] : memref<524288x256xf32, #tpu.memory_space<hbm>> -> memref<64x256xf32, #tpu.memory_space<hbm>>
        %dma_wait3A_113 = arith.constant 0 : i32
        %dma_wait3A_114 = arith.constant 0 : i32
        %dma_wait3A_115 = tpu.memref_slice %arg9[%dma_wait3A_113, %dma_wait3A_114] : memref<524288x256xf32, #tpu.memory_space<hbm>> -> memref<64x256xf32, #tpu.memory_space<hbm>>
        tpu.wait_dma2 semaphore(%arg29 : memref<!tpu.dma_semaphore, #tpu.memory_space<semaphore_mem>>) src(%arg20 : memref<64x256xf32, #tpu.memory_space<vmem>>) dst(%dma_wait3A_115 : memref<64x256xf32, #tpu.memory_space<hbm>>)
      } else {
      }
      %dma_start3A_66 = arith.constant 0 : i32
      %dma_start3A_67 = tpu.memref_slice %arg16[%dma_start3A_66] : memref<4096xi32, #tpu.memory_space<vmem>> -> memref<64xi32, #tpu.memory_space<vmem>>
      %dma_start3A_68 = arith.constant 0 : i32
      %dma_start3A_69 = arith.constant 0 : i32
      %dma_start3A_70 = tpu.memref_slice %arg8[%dma_start3A_68, %dma_start3A_69] : memref<24000x256xf32, #tpu.memory_space<hbm>> -> memref<24000x256xf32, #tpu.memory_space<hbm>>
      tpu.enqueue_indirect_dma source(%dma_start3A_70 : memref<24000x256xf32, #tpu.memory_space<hbm>>) target(%arg17 : memref<64x256xf32, #tpu.memory_space<vmem>>) offsets(%dma_start3A_67 : memref<64xi32, #tpu.memory_space<vmem>>) semaphore(%arg22 : memref<!tpu.dma_semaphore, #tpu.memory_space<semaphore_mem>>)
      %dma_start3A_71 = arith.constant 64 : i32
      %dma_start3A_72 = tpu.memref_slice %arg16[%dma_start3A_71] : memref<4096xi32, #tpu.memory_space<vmem>> -> memref<64xi32, #tpu.memory_space<vmem>>
      %dma_start3A_73 = arith.constant 0 : i32
      %dma_start3A_74 = arith.constant 0 : i32
      %dma_start3A_75 = tpu.memref_slice %arg8[%dma_start3A_73, %dma_start3A_74] : memref<24000x256xf32, #tpu.memory_space<hbm>> -> memref<24000x256xf32, #tpu.memory_space<hbm>>
      tpu.enqueue_indirect_dma source(%dma_start3A_75 : memref<24000x256xf32, #tpu.memory_space<hbm>>) target(%arg18 : memref<64x256xf32, #tpu.memory_space<vmem>>) offsets(%dma_start3A_72 : memref<64xi32, #tpu.memory_space<vmem>>) semaphore(%arg23 : memref<!tpu.dma_semaphore, #tpu.memory_space<semaphore_mem>>)
      %dma_start3A_76 = arith.constant 128 : i32
      %dma_start3A_77 = tpu.memref_slice %arg16[%dma_start3A_76] : memref<4096xi32, #tpu.memory_space<vmem>> -> memref<64xi32, #tpu.memory_space<vmem>>
      %dma_start3A_78 = arith.constant 0 : i32
      %dma_start3A_79 = arith.constant 0 : i32
      %dma_start3A_80 = tpu.memref_slice %arg8[%dma_start3A_78, %dma_start3A_79] : memref<24000x256xf32, #tpu.memory_space<hbm>> -> memref<24000x256xf32, #tpu.memory_space<hbm>>
      tpu.enqueue_indirect_dma source(%dma_start3A_80 : memref<24000x256xf32, #tpu.memory_space<hbm>>) target(%arg19 : memref<64x256xf32, #tpu.memory_space<vmem>>) offsets(%dma_start3A_77 : memref<64xi32, #tpu.memory_space<vmem>>) semaphore(%arg24 : memref<!tpu.dma_semaphore, #tpu.memory_space<semaphore_mem>>)
      %dma_start3A_81 = arith.constant 192 : i32
      %dma_start3A_82 = tpu.memref_slice %arg16[%dma_start3A_81] : memref<4096xi32, #tpu.memory_space<vmem>> -> memref<64xi32, #tpu.memory_space<vmem>>
      %dma_start3A_83 = arith.constant 0 : i32
      %dma_start3A_84 = arith.constant 0 : i32
      %dma_start3A_85 = tpu.memref_slice %arg8[%dma_start3A_83, %dma_start3A_84] : memref<24000x256xf32, #tpu.memory_space<hbm>> -> memref<24000x256xf32, #tpu.memory_space<hbm>>
      tpu.enqueue_indirect_dma source(%dma_start3A_85 : memref<24000x256xf32, #tpu.memory_space<hbm>>) target(%arg20 : memref<64x256xf32, #tpu.memory_space<vmem>>) offsets(%dma_start3A_82 : memref<64xi32, #tpu.memory_space<vmem>>) semaphore(%arg25 : memref<!tpu.dma_semaphore, #tpu.memory_space<semaphore_mem>>)
      %scan3A_86 = arith.constant 0 : i32
      %scan3A_87 = arith.constant 0 : i32
      %scan3A_88 = arith.constant 16 : i32
      %scan3A_89 = arith.addi %scan3A_87, %scan3A_88 : i32
      %scan3A_90 = arith.constant 1 : i32
      scf.for %scan3A_92 = %scan3A_87 to %scan3A_89 step %scan3A_90  : i32 {
        %mul3A_93 = arith.constant 4 : i32
        %mul3A_94 = arith.muli %mul3A_93, %scan3A_92 : i32
        %dma_wait3A_95 = arith.constant 0 : i32
        %dma_wait3A_96 = tpu.memref_slice %arg16[%dma_wait3A_95] : memref<4096xi32, #tpu.memory_space<vmem>> -> memref<64xi32, #tpu.memory_space<vmem>>
        %dma_wait3A_97 = arith.constant 0 : i32
        %dma_wait3A_98 = arith.constant 0 : i32
        %dma_wait3A_99 = tpu.memref_slice %arg8[%dma_wait3A_97, %dma_wait3A_98] : memref<24000x256xf32, #tpu.memory_space<hbm>> -> memref<24000x256xf32, #tpu.memory_space<hbm>>
        tpu.wait_indirect_dma semaphore(%arg22 : memref<!tpu.dma_semaphore, #tpu.memory_space<semaphore_mem>>) src(%dma_wait3A_99 : memref<24000x256xf32, #tpu.memory_space<hbm>>) dst(%arg17 : memref<64x256xf32, #tpu.memory_space<vmem>>)
        %add3A_100 = arith.constant 0 : i32
        %add3A_101 = arith.addi %mul3A_94, %add3A_100 : i32
        %mul3A_102 = arith.constant 4096 : i32
        %mul3A_103 = arith.muli %scan3A_31, %mul3A_102 : i32
        %add3A_104 = arith.addi %mul3A_2, %mul3A_103 : i32
        %mul3A_105 = arith.constant 64 : i32
        %mul3A_106 = arith.muli %add3A_101, %mul3A_105 : i32
        %add3A_107 = arith.addi %add3A_104, %mul3A_106 : i32
        %dma_start3A_108 = arith.constant 0 : i32
        %dma_start3A_109 = tpu.memref_slice %arg9[%add3A_107, %dma_start3A_108] : memref<524288x256xf32, #tpu.memory_space<hbm>> -> memref<64x256xf32, #tpu.memory_space<hbm>>
        %dma_start3A_110 = arith.constant 0 : i32
        %dma_start3A_111 = tpu.memref_slice %arg9[%add3A_107, %dma_start3A_110] : memref<524288x256xf32, #tpu.memory_space<hbm>> -> memref<64x256xf32, #tpu.memory_space<hbm>>
        tpu.enqueue_dma source(%arg17 : memref<64x256xf32, #tpu.memory_space<vmem>>) target(%dma_start3A_111 : memref<64x256xf32, #tpu.memory_space<hbm>>) target_semaphore(%arg26 : memref<!tpu.dma_semaphore, #tpu.memory_space<semaphore_mem>>)
        %dma_wait3A_112 = arith.constant 0 : i32
        %dma_wait3A_113 = tpu.memref_slice %arg16[%dma_wait3A_112] : memref<4096xi32, #tpu.memory_space<vmem>> -> memref<64xi32, #tpu.memory_space<vmem>>
        %dma_wait3A_114 = arith.constant 0 : i32
        %dma_wait3A_115 = arith.constant 0 : i32
        %dma_wait3A_116 = tpu.memref_slice %arg8[%dma_wait3A_114, %dma_wait3A_115] : memref<24000x256xf32, #tpu.memory_space<hbm>> -> memref<24000x256xf32, #tpu.memory_space<hbm>>
        tpu.wait_indirect_dma semaphore(%arg23 : memref<!tpu.dma_semaphore, #tpu.memory_space<semaphore_mem>>) src(%dma_wait3A_116 : memref<24000x256xf32, #tpu.memory_space<hbm>>) dst(%arg18 : memref<64x256xf32, #tpu.memory_space<vmem>>)
        %add3A_117 = arith.constant 1 : i32
        %add3A_118 = arith.addi %mul3A_94, %add3A_117 : i32
        %mul3A_119 = arith.constant 4096 : i32
        %mul3A_120 = arith.muli %scan3A_31, %mul3A_119 : i32
        %add3A_121 = arith.addi %mul3A_2, %mul3A_120 : i32
        %mul3A_122 = arith.constant 64 : i32
        %mul3A_123 = arith.muli %add3A_118, %mul3A_122 : i32
        %add3A_124 = arith.addi %add3A_121, %mul3A_123 : i32
        %dma_start3A_125 = arith.constant 0 : i32
        %dma_start3A_126 = tpu.memref_slice %arg9[%add3A_124, %dma_start3A_125] : memref<524288x256xf32, #tpu.memory_space<hbm>> -> memref<64x256xf32, #tpu.memory_space<hbm>>
        %dma_start3A_127 = arith.constant 0 : i32
        %dma_start3A_128 = tpu.memref_slice %arg9[%add3A_124, %dma_start3A_127] : memref<524288x256xf32, #tpu.memory_space<hbm>> -> memref<64x256xf32, #tpu.memory_space<hbm>>
        tpu.enqueue_dma source(%arg18 : memref<64x256xf32, #tpu.memory_space<vmem>>) target(%dma_start3A_128 : memref<64x256xf32, #tpu.memory_space<hbm>>) target_semaphore(%arg27 : memref<!tpu.dma_semaphore, #tpu.memory_space<semaphore_mem>>)
        %dma_wait3A_129 = arith.constant 0 : i32
        %dma_wait3A_130 = tpu.memref_slice %arg16[%dma_wait3A_129] : memref<4096xi32, #tpu.memory_space<vmem>> -> memref<64xi32, #tpu.memory_space<vmem>>
        %dma_wait3A_131 = arith.constant 0 : i32
        %dma_wait3A_132 = arith.constant 0 : i32
        %dma_wait3A_133 = tpu.memref_slice %arg8[%dma_wait3A_131, %dma_wait3A_132] : memref<24000x256xf32, #tpu.memory_space<hbm>> -> memref<24000x256xf32, #tpu.memory_space<hbm>>
        tpu.wait_indirect_dma semaphore(%arg24 : memref<!tpu.dma_semaphore, #tpu.memory_space<semaphore_mem>>) src(%dma_wait3A_133 : memref<24000x256xf32, #tpu.memory_space<hbm>>) dst(%arg19 : memref<64x256xf32, #tpu.memory_space<vmem>>)
        %add3A_134 = arith.constant 2 : i32
        %add3A_135 = arith.addi %mul3A_94, %add3A_134 : i32
        %mul3A_136 = arith.constant 4096 : i32
        %mul3A_137 = arith.muli %scan3A_31, %mul3A_136 : i32
        %add3A_138 = arith.addi %mul3A_2, %mul3A_137 : i32
        %mul3A_139 = arith.constant 64 : i32
        %mul3A_140 = arith.muli %add3A_135, %mul3A_139 : i32
        %add3A_141 = arith.addi %add3A_138, %mul3A_140 : i32
        %dma_start3A_142 = arith.constant 0 : i32
        %dma_start3A_143 = tpu.memref_slice %arg9[%add3A_141, %dma_start3A_142] : memref<524288x256xf32, #tpu.memory_space<hbm>> -> memref<64x256xf32, #tpu.memory_space<hbm>>
        %dma_start3A_144 = arith.constant 0 : i32
        %dma_start3A_145 = tpu.memref_slice %arg9[%add3A_141, %dma_start3A_144] : memref<524288x256xf32, #tpu.memory_space<hbm>> -> memref<64x256xf32, #tpu.memory_space<hbm>>
        tpu.enqueue_dma source(%arg19 : memref<64x256xf32, #tpu.memory_space<vmem>>) target(%dma_start3A_145 : memref<64x256xf32, #tpu.memory_space<hbm>>) target_semaphore(%arg28 : memref<!tpu.dma_semaphore, #tpu.memory_space<semaphore_mem>>)
        %dma_wait3A_146 = arith.constant 0 : i32
        %dma_wait3A_147 = tpu.memref_slice %arg16[%dma_wait3A_146] : memref<4096xi32, #tpu.memory_space<vmem>> -> memref<64xi32, #tpu.memory_space<vmem>>
        %dma_wait3A_148 = arith.constant 0 : i32
        %dma_wait3A_149 = arith.constant 0 : i32
        %dma_wait3A_150 = tpu.memref_slice %arg8[%dma_wait3A_148, %dma_wait3A_149] : memref<24000x256xf32, #tpu.memory_space<hbm>> -> memref<24000x256xf32, #tpu.memory_space<hbm>>
        tpu.wait_indirect_dma semaphore(%arg25 : memref<!tpu.dma_semaphore, #tpu.memory_space<semaphore_mem>>) src(%dma_wait3A_150 : memref<24000x256xf32, #tpu.memory_space<hbm>>) dst(%arg20 : memref<64x256xf32, #tpu.memory_space<vmem>>)
        %add3A_151 = arith.constant 3 : i32
        %add3A_152 = arith.addi %mul3A_94, %add3A_151 : i32
        %mul3A_153 = arith.constant 4096 : i32
        %mul3A_154 = arith.muli %scan3A_31, %mul3A_153 : i32
        %add3A_155 = arith.addi %mul3A_2, %mul3A_154 : i32
        %mul3A_156 = arith.constant 64 : i32
        %mul3A_157 = arith.muli %add3A_152, %mul3A_156 : i32
        %add3A_158 = arith.addi %add3A_155, %mul3A_157 : i32
        %dma_start3A_159 = arith.constant 0 : i32
        %dma_start3A_160 = tpu.memref_slice %arg9[%add3A_158, %dma_start3A_159] : memref<524288x256xf32, #tpu.memory_space<hbm>> -> memref<64x256xf32, #tpu.memory_space<hbm>>
        %dma_start3A_161 = arith.constant 0 : i32
        %dma_start3A_162 = tpu.memref_slice %arg9[%add3A_158, %dma_start3A_161] : memref<524288x256xf32, #tpu.memory_space<hbm>> -> memref<64x256xf32, #tpu.memory_space<hbm>>
        tpu.enqueue_dma source(%arg20 : memref<64x256xf32, #tpu.memory_space<vmem>>) target(%dma_start3A_162 : memref<64x256xf32, #tpu.memory_space<hbm>>) target_semaphore(%arg29 : memref<!tpu.dma_semaphore, #tpu.memory_space<semaphore_mem>>)
        %lt3A = arith.constant 15 : i32
        %lt3A_163 = arith.cmpi slt, %scan3A_92, %lt3A : i32
        %convert_element_type3A_164 = arith.extui %lt3A_163 : i1 to i32
        %cond3A_165 = arith.constant 0 : i32
        %cond3A_166 = arith.cmpi ne, %convert_element_type3A_164, %cond3A_165 : i32
        scf.if %cond3A_166 {
          %dma_wait3A_167 = arith.constant 0 : i32
          %dma_wait3A_168 = arith.constant 0 : i32
          %dma_wait3A_169 = tpu.memref_slice %arg9[%dma_wait3A_167, %dma_wait3A_168] : memref<524288x256xf32, #tpu.memory_space<hbm>> -> memref<64x256xf32, #tpu.memory_space<hbm>>
          %dma_wait3A_170 = arith.constant 0 : i32
          %dma_wait3A_171 = arith.constant 0 : i32
          %dma_wait3A_172 = tpu.memref_slice %arg9[%dma_wait3A_170, %dma_wait3A_171] : memref<524288x256xf32, #tpu.memory_space<hbm>> -> memref<64x256xf32, #tpu.memory_space<hbm>>
          tpu.wait_dma2 semaphore(%arg26 : memref<!tpu.dma_semaphore, #tpu.memory_space<semaphore_mem>>) src(%arg17 : memref<64x256xf32, #tpu.memory_space<vmem>>) dst(%dma_wait3A_172 : memref<64x256xf32, #tpu.memory_space<hbm>>)
          %add3A_173 = arith.constant 4 : i32
          %add3A_174 = arith.addi %mul3A_94, %add3A_173 : i32
          %add3A_175 = arith.constant 0 : i32
          %add3A_176 = arith.addi %add3A_174, %add3A_175 : i32
          %mul3A_177 = arith.constant 64 : i32
          %mul3A_178 = arith.muli %add3A_176, %mul3A_177 : i32
          %dma_start3A_179 = tpu.memref_slice %arg16[%mul3A_178] : memref<4096xi32, #tpu.memory_space<vmem>> -> memref<64xi32, #tpu.memory_space<vmem>>
          %dma_start3A_180 = arith.constant 0 : i32
          %dma_start3A_181 = arith.constant 0 : i32
          %dma_start3A_182 = tpu.memref_slice %arg8[%dma_start3A_180, %dma_start3A_181] : memref<24000x256xf32, #tpu.memory_space<hbm>> -> memref<24000x256xf32, #tpu.memory_space<hbm>>
          tpu.enqueue_indirect_dma source(%dma_start3A_182 : memref<24000x256xf32, #tpu.memory_space<hbm>>) target(%arg17 : memref<64x256xf32, #tpu.memory_space<vmem>>) offsets(%dma_start3A_179 : memref<64xi32, #tpu.memory_space<vmem>>) semaphore(%arg22 : memref<!tpu.dma_semaphore, #tpu.memory_space<semaphore_mem>>)
          %dma_wait3A_183 = arith.constant 0 : i32
          %dma_wait3A_184 = arith.constant 0 : i32
          %dma_wait3A_185 = tpu.memref_slice %arg9[%dma_wait3A_183, %dma_wait3A_184] : memref<524288x256xf32, #tpu.memory_space<hbm>> -> memref<64x256xf32, #tpu.memory_space<hbm>>
          %dma_wait3A_186 = arith.constant 0 : i32
          %dma_wait3A_187 = arith.constant 0 : i32
          %dma_wait3A_188 = tpu.memref_slice %arg9[%dma_wait3A_186, %dma_wait3A_187] : memref<524288x256xf32, #tpu.memory_space<hbm>> -> memref<64x256xf32, #tpu.memory_space<hbm>>
          tpu.wait_dma2 semaphore(%arg27 : memref<!tpu.dma_semaphore, #tpu.memory_space<semaphore_mem>>) src(%arg18 : memref<64x256xf32, #tpu.memory_space<vmem>>) dst(%dma_wait3A_188 : memref<64x256xf32, #tpu.memory_space<hbm>>)
          %add3A_189 = arith.constant 4 : i32
          %add3A_190 = arith.addi %mul3A_94, %add3A_189 : i32
          %add3A_191 = arith.constant 1 : i32
          %add3A_192 = arith.addi %add3A_190, %add3A_191 : i32
          %mul3A_193 = arith.constant 64 : i32
          %mul3A_194 = arith.muli %add3A_192, %mul3A_193 : i32
          %dma_start3A_195 = tpu.memref_slice %arg16[%mul3A_194] : memref<4096xi32, #tpu.memory_space<vmem>> -> memref<64xi32, #tpu.memory_space<vmem>>
          %dma_start3A_196 = arith.constant 0 : i32
          %dma_start3A_197 = arith.constant 0 : i32
          %dma_start3A_198 = tpu.memref_slice %arg8[%dma_start3A_196, %dma_start3A_197] : memref<24000x256xf32, #tpu.memory_space<hbm>> -> memref<24000x256xf32, #tpu.memory_space<hbm>>
          tpu.enqueue_indirect_dma source(%dma_start3A_198 : memref<24000x256xf32, #tpu.memory_space<hbm>>) target(%arg18 : memref<64x256xf32, #tpu.memory_space<vmem>>) offsets(%dma_start3A_195 : memref<64xi32, #tpu.memory_space<vmem>>) semaphore(%arg23 : memref<!tpu.dma_semaphore, #tpu.memory_space<semaphore_mem>>)
          %dma_wait3A_199 = arith.constant 0 : i32
          %dma_wait3A_200 = arith.constant 0 : i32
          %dma_wait3A_201 = tpu.memref_slice %arg9[%dma_wait3A_199, %dma_wait3A_200] : memref<524288x256xf32, #tpu.memory_space<hbm>> -> memref<64x256xf32, #tpu.memory_space<hbm>>
          %dma_wait3A_202 = arith.constant 0 : i32
          %dma_wait3A_203 = arith.constant 0 : i32
          %dma_wait3A_204 = tpu.memref_slice %arg9[%dma_wait3A_202, %dma_wait3A_203] : memref<524288x256xf32, #tpu.memory_space<hbm>> -> memref<64x256xf32, #tpu.memory_space<hbm>>
          tpu.wait_dma2 semaphore(%arg28 : memref<!tpu.dma_semaphore, #tpu.memory_space<semaphore_mem>>) src(%arg19 : memref<64x256xf32, #tpu.memory_space<vmem>>) dst(%dma_wait3A_204 : memref<64x256xf32, #tpu.memory_space<hbm>>)
          %add3A_205 = arith.constant 4 : i32
          %add3A_206 = arith.addi %mul3A_94, %add3A_205 : i32
          %add3A_207 = arith.constant 2 : i32
          %add3A_208 = arith.addi %add3A_206, %add3A_207 : i32
          %mul3A_209 = arith.constant 64 : i32
          %mul3A_210 = arith.muli %add3A_208, %mul3A_209 : i32
          %dma_start3A_211 = tpu.memref_slice %arg16[%mul3A_210] : memref<4096xi32, #tpu.memory_space<vmem>> -> memref<64xi32, #tpu.memory_space<vmem>>
          %dma_start3A_212 = arith.constant 0 : i32
          %dma_start3A_213 = arith.constant 0 : i32
          %dma_start3A_214 = tpu.memref_slice %arg8[%dma_start3A_212, %dma_start3A_213] : memref<24000x256xf32, #tpu.memory_space<hbm>> -> memref<24000x256xf32, #tpu.memory_space<hbm>>
          tpu.enqueue_indirect_dma source(%dma_start3A_214 : memref<24000x256xf32, #tpu.memory_space<hbm>>) target(%arg19 : memref<64x256xf32, #tpu.memory_space<vmem>>) offsets(%dma_start3A_211 : memref<64xi32, #tpu.memory_space<vmem>>) semaphore(%arg24 : memref<!tpu.dma_semaphore, #tpu.memory_space<semaphore_mem>>)
          %dma_wait3A_215 = arith.constant 0 : i32
          %dma_wait3A_216 = arith.constant 0 : i32
          %dma_wait3A_217 = tpu.memref_slice %arg9[%dma_wait3A_215, %dma_wait3A_216] : memref<524288x256xf32, #tpu.memory_space<hbm>> -> memref<64x256xf32, #tpu.memory_space<hbm>>
          %dma_wait3A_218 = arith.constant 0 : i32
          %dma_wait3A_219 = arith.constant 0 : i32
          %dma_wait3A_220 = tpu.memref_slice %arg9[%dma_wait3A_218, %dma_wait3A_219] : memref<524288x256xf32, #tpu.memory_space<hbm>> -> memref<64x256xf32, #tpu.memory_space<hbm>>
          tpu.wait_dma2 semaphore(%arg29 : memref<!tpu.dma_semaphore, #tpu.memory_space<semaphore_mem>>) src(%arg20 : memref<64x256xf32, #tpu.memory_space<vmem>>) dst(%dma_wait3A_220 : memref<64x256xf32, #tpu.memory_space<hbm>>)
          %add3A_221 = arith.constant 4 : i32
          %add3A_222 = arith.addi %mul3A_94, %add3A_221 : i32
          %add3A_223 = arith.constant 3 : i32
          %add3A_224 = arith.addi %add3A_222, %add3A_223 : i32
          %mul3A_225 = arith.constant 64 : i32
          %mul3A_226 = arith.muli %add3A_224, %mul3A_225 : i32
          %dma_start3A_227 = tpu.memref_slice %arg16[%mul3A_226] : memref<4096xi32, #tpu.memory_space<vmem>> -> memref<64xi32, #tpu.memory_space<vmem>>
          %dma_start3A_228 = arith.constant 0 : i32
          %dma_start3A_229 = arith.constant 0 : i32
          %dma_start3A_230 = tpu.memref_slice %arg8[%dma_start3A_228, %dma_start3A_229] : memref<24000x256xf32, #tpu.memory_space<hbm>> -> memref<24000x256xf32, #tpu.memory_space<hbm>>
          tpu.enqueue_indirect_dma source(%dma_start3A_230 : memref<24000x256xf32, #tpu.memory_space<hbm>>) target(%arg20 : memref<64x256xf32, #tpu.memory_space<vmem>>) offsets(%dma_start3A_227 : memref<64xi32, #tpu.memory_space<vmem>>) semaphore(%arg25 : memref<!tpu.dma_semaphore, #tpu.memory_space<semaphore_mem>>)
        } else {
        }
      }
      %scan3A_91 = arith.constant 16 : i32
    }
    %scan3A_7 = arith.constant 4 : i32
    %dma_wait3A = arith.constant 0 : i32
    %dma_wait3A_8 = arith.constant 0 : i32
    %dma_wait3A_9 = tpu.memref_slice %arg9[%dma_wait3A, %dma_wait3A_8] : memref<524288x256xf32, #tpu.memory_space<hbm>> -> memref<64x256xf32, #tpu.memory_space<hbm>>
    %dma_wait3A_10 = arith.constant 0 : i32
    %dma_wait3A_11 = arith.constant 0 : i32
    %dma_wait3A_12 = tpu.memref_slice %arg9[%dma_wait3A_10, %dma_wait3A_11] : memref<524288x256xf32, #tpu.memory_space<hbm>> -> memref<64x256xf32, #tpu.memory_space<hbm>>
    tpu.wait_dma2 semaphore(%arg26 : memref<!tpu.dma_semaphore, #tpu.memory_space<semaphore_mem>>) src(%arg17 : memref<64x256xf32, #tpu.memory_space<vmem>>) dst(%dma_wait3A_12 : memref<64x256xf32, #tpu.memory_space<hbm>>)
    %dma_wait3A_13 = arith.constant 0 : i32
    %dma_wait3A_14 = arith.constant 0 : i32
    %dma_wait3A_15 = tpu.memref_slice %arg9[%dma_wait3A_13, %dma_wait3A_14] : memref<524288x256xf32, #tpu.memory_space<hbm>> -> memref<64x256xf32, #tpu.memory_space<hbm>>
    %dma_wait3A_16 = arith.constant 0 : i32
    %dma_wait3A_17 = arith.constant 0 : i32
    %dma_wait3A_18 = tpu.memref_slice %arg9[%dma_wait3A_16, %dma_wait3A_17] : memref<524288x256xf32, #tpu.memory_space<hbm>> -> memref<64x256xf32, #tpu.memory_space<hbm>>
    tpu.wait_dma2 semaphore(%arg27 : memref<!tpu.dma_semaphore, #tpu.memory_space<semaphore_mem>>) src(%arg18 : memref<64x256xf32, #tpu.memory_space<vmem>>) dst(%dma_wait3A_18 : memref<64x256xf32, #tpu.memory_space<hbm>>)
    %dma_wait3A_19 = arith.constant 0 : i32
    %dma_wait3A_20 = arith.constant 0 : i32
    %dma_wait3A_21 = tpu.memref_slice %arg9[%dma_wait3A_19, %dma_wait3A_20] : memref<524288x256xf32, #tpu.memory_space<hbm>> -> memref<64x256xf32, #tpu.memory_space<hbm>>
    %dma_wait3A_22 = arith.constant 0 : i32
    %dma_wait3A_23 = arith.constant 0 : i32
    %dma_wait3A_24 = tpu.memref_slice %arg9[%dma_wait3A_22, %dma_wait3A_23] : memref<524288x256xf32, #tpu.memory_space<hbm>> -> memref<64x256xf32, #tpu.memory_space<hbm>>
    tpu.wait_dma2 semaphore(%arg28 : memref<!tpu.dma_semaphore, #tpu.memory_space<semaphore_mem>>) src(%arg19 : memref<64x256xf32, #tpu.memory_space<vmem>>) dst(%dma_wait3A_24 : memref<64x256xf32, #tpu.memory_space<hbm>>)
    %dma_wait3A_25 = arith.constant 0 : i32
    %dma_wait3A_26 = arith.constant 0 : i32
    %dma_wait3A_27 = tpu.memref_slice %arg9[%dma_wait3A_25, %dma_wait3A_26] : memref<524288x256xf32, #tpu.memory_space<hbm>> -> memref<64x256xf32, #tpu.memory_space<hbm>>
    %dma_wait3A_28 = arith.constant 0 : i32
    %dma_wait3A_29 = arith.constant 0 : i32
    %dma_wait3A_30 = tpu.memref_slice %arg9[%dma_wait3A_28, %dma_wait3A_29] : memref<524288x256xf32, #tpu.memory_space<hbm>> -> memref<64x256xf32, #tpu.memory_space<hbm>>
    tpu.wait_dma2 semaphore(%arg29 : memref<!tpu.dma_semaphore, #tpu.memory_space<semaphore_mem>>) src(%arg20 : memref<64x256xf32, #tpu.memory_space<vmem>>) dst(%dma_wait3A_30 : memref<64x256xf32, #tpu.memory_space<hbm>>)
    return
  }
}

module attributes {stable_mosaic.version = 14 : i64} {
  func.func @_sum_body(%arg0: i32, %arg1: memref<300x256xf32, #tpu.memory_space<vmem>>, %arg2: memref<8x256xf32, #tpu.memory_space<vmem>>, %arg3: memref<8x300x256xf32, #tpu.memory_space<vmem>>) attributes {dimension_semantics = [#tpu.dimension_semantics<arbitrary>], iteration_bounds = array<i64: 10>, scalar_prefetch = 0 : i64, scratch_operands = 0 : i64, tpu.core_type = #tpu.core_type<tc>, window_params = [{pipeline_mode = #tpu.pipeline_mode<synchronous>, transform_indices = @transform_0, window_bounds = array<i64: 300, 256>}, {transform_indices = @transform_1, window_bounds = array<i64: 8, 256>}, {transform_indices = @transform_2, window_bounds = array<i64: 8, 300, 256>}]} {
    %get3A = arith.constant 0 : index
    %get3A_0 = arith.constant 0 : index
    %get3A_1 = vector.load %arg2[%get3A, %get3A_0] : memref<8x256xf32, #tpu.memory_space<vmem>>, vector<8x256xf32>
    %broadcast_in_dim3A = vector.shape_cast %get3A_1 : vector<8x256xf32> to vector<8x1x256xf32>
    %get3A_2 = arith.constant 0 : index
    %get3A_3 = arith.constant 0 : index
    %get3A_4 = vector.load %arg1[%get3A_2, %get3A_3] : memref<300x256xf32, #tpu.memory_space<vmem>>, vector<300x256xf32>
    %broadcast_in_dim3A_5 = vector.shape_cast %get3A_4 : vector<300x256xf32> to vector<1x300x256xf32>
    %add3A = vector.broadcast %broadcast_in_dim3A : vector<8x1x256xf32> to vector<8x300x256xf32>
    %add3A_6 = vector.broadcast %broadcast_in_dim3A_5 : vector<1x300x256xf32> to vector<8x300x256xf32>
    %add3A_7 = arith.addf %add3A, %add3A_6 : vector<8x300x256xf32>
    %swap3A = arith.constant 0 : index
    %swap3A_8 = arith.constant 0 : index
    %swap3A_9 = arith.constant 0 : index
    %swap3A_10 = vector.load %arg3[%swap3A, %swap3A_8, %swap3A_9] : memref<8x300x256xf32, #tpu.memory_space<vmem>>, vector<8x300x256xf32>
    tpu.vector_store %arg3[%swap3A, %swap3A_8, %swap3A_9], %add3A_7 {strides = array<i32>} : memref<8x300x256xf32, #tpu.memory_space<vmem>>, vector<8x300x256xf32>,
    return
  }
  func.func @transform_0(%arg0: i32) -> (i32, i32) {
    %c0_i32 = arith.constant 0 : i32
    %c0_i32_0 = arith.constant 0 : i32
    %c0_i32_1 = arith.constant 0 : i32
    return %c0_i32, %c0_i32_0 : i32, i32
  }
  func.func @transform_1(%arg0: i32) -> (i32, i32) {
    %c0_i32 = arith.constant 0 : i32
    %c0_i32_0 = arith.constant 0 : i32
    return %arg0, %c0_i32 : i32, i32
  }
  func.func @transform_2(%arg0: i32) -> (i32, i32, i32) {
    %c0_i32 = arith.constant 0 : i32
    %c0_i32_0 = arith.constant 0 : i32
    %c0_i32_1 = arith.constant 0 : i32
    return %arg0, %c0_i32, %c0_i32_0 : i32, i32, i32
  }
}

module attributes {stable_mosaic.version = 14 : i64} {
  func.func @_prep_body(%arg0: memref<300x64xf32, #tpu.memory_space<vmem>>, %arg1: memref<5x16xf32, #tpu.memory_space<vmem>>, %arg2: memref<2x32xf32, #tpu.memory_space<vmem>>, %arg3: memref<2x32xf32, #tpu.memory_space<vmem>>, %arg4: memref<2x32xf32, #tpu.memory_space<vmem>>, %arg5: memref<2x32xf32, #tpu.memory_space<vmem>>, %arg6: memref<208x256xf32, #tpu.memory_space<vmem>>, %arg7: memref<1x256xf32, #tpu.memory_space<vmem>>, %arg8: memref<300x256xf32, #tpu.memory_space<vmem>>, %arg9: memref<80x256xf32, #tpu.memory_space<vmem>>) attributes {dimension_semantics = [], scalar_prefetch = 0 : i64, scratch_operands = 0 : i64, tpu.core_type = #tpu.core_type<tc>} {
    %get3A = arith.constant 0 : index
    %get3A_0 = arith.constant 0 : index
    %get3A_1 = vector.load %arg6[%get3A, %get3A_0] : memref<208x256xf32, #tpu.memory_space<vmem>>, vector<208x256xf32>
    %get3A_2 = arith.constant 0 : index
    %get3A_3 = arith.constant 0 : index
    %get3A_4 = vector.load %arg0[%get3A_2, %get3A_3] : memref<300x64xf32, #tpu.memory_space<vmem>>, vector<300x64xf32>
    %slice3A = vector.extract_strided_slice %get3A_1 {offsets = [0, 0], sizes = [64, 256], strides = [1, 1]} : vector<208x256xf32> to vector<64x256xf32>
    %dot_general3A = arith.constant dense<0.000000e+00> : vector<300x256xf32>
    %dot_general3A_5 = tpu.matmul %get3A_4, %slice3A, %dot_general3A {dimension_numbers = #tpu.dot_dimension_numbers<[1], [0], [0], [1], [0, 0, 1, 1], [], []>, transpose_lhs_hint = false} : vector<300x64xf32>, vector<64x256xf32>, vector<300x256xf32> -> vector<300x256xf32>
    %swap3A = arith.constant 0 : index
    %swap3A_6 = arith.constant 0 : index
    %swap3A_7 = vector.load %arg8[%swap3A, %swap3A_6] : memref<300x256xf32, #tpu.memory_space<vmem>>, vector<300x256xf32>
    tpu.vector_store %arg8[%swap3A, %swap3A_6], %dot_general3A_5 {strides = array<i32>} : memref<300x256xf32, #tpu.memory_space<vmem>>, vector<300x256xf32>,
    %get3A_8 = arith.constant 0 : index
    %get3A_9 = arith.constant 0 : index
    %get3A_10 = vector.load %arg1[%get3A_8, %get3A_9] : memref<5x16xf32, #tpu.memory_space<vmem>>, vector<5x16xf32>
    %slice3A_11 = vector.extract_strided_slice %get3A_1 {offsets = [64, 0], sizes = [16, 256], strides = [1, 1]} : vector<208x256xf32> to vector<16x256xf32>
    %dot_general3A_12 = arith.constant dense<0.000000e+00> : vector<5x256xf32>
    %dot_general3A_13 = tpu.matmul %get3A_10, %slice3A_11, %dot_general3A_12 {dimension_numbers = #tpu.dot_dimension_numbers<[1], [0], [0], [1], [0, 0, 1, 1], [], []>, transpose_lhs_hint = false} : vector<5x16xf32>, vector<16x256xf32>, vector<5x256xf32> -> vector<5x256xf32>
    %get3A_14 = arith.constant 0 : index
    %get3A_15 = arith.constant 0 : index
    %get3A_16 = vector.load %arg2[%get3A_14, %get3A_15] : memref<2x32xf32, #tpu.memory_space<vmem>>, vector<2x32xf32>
    %slice3A_17 = vector.extract_strided_slice %get3A_1 {offsets = [80, 0], sizes = [32, 256], strides = [1, 1]} : vector<208x256xf32> to vector<32x256xf32>
    %dot_general3A_18 = arith.constant dense<0.000000e+00> : vector<2x256xf32>
    %dot_general3A_19 = tpu.matmul %get3A_16, %slice3A_17, %dot_general3A_18 {dimension_numbers = #tpu.dot_dimension_numbers<[1], [0], [0], [1], [0, 0, 1, 1], [], []>, transpose_lhs_hint = false} : vector<2x32xf32>, vector<32x256xf32>, vector<2x256xf32> -> vector<2x256xf32>
    %get3A_20 = arith.constant 0 : index
    %get3A_21 = arith.constant 0 : index
    %get3A_22 = vector.load %arg3[%get3A_20, %get3A_21] : memref<2x32xf32, #tpu.memory_space<vmem>>, vector<2x32xf32>
    %slice3A_23 = vector.extract_strided_slice %get3A_1 {offsets = [112, 0], sizes = [32, 256], strides = [1, 1]} : vector<208x256xf32> to vector<32x256xf32>
    %dot_general3A_24 = arith.constant dense<0.000000e+00> : vector<2x256xf32>
    %dot_general3A_25 = tpu.matmul %get3A_22, %slice3A_23, %dot_general3A_24 {dimension_numbers = #tpu.dot_dimension_numbers<[1], [0], [0], [1], [0, 0, 1, 1], [], []>, transpose_lhs_hint = false} : vector<2x32xf32>, vector<32x256xf32>, vector<2x256xf32> -> vector<2x256xf32>
    %get3A_26 = arith.constant 0 : index
    %get3A_27 = arith.constant 0 : index
    %get3A_28 = vector.load %arg4[%get3A_26, %get3A_27] : memref<2x32xf32, #tpu.memory_space<vmem>>, vector<2x32xf32>
    %slice3A_29 = vector.extract_strided_slice %get3A_1 {offsets = [144, 0], sizes = [32, 256], strides = [1, 1]} : vector<208x256xf32> to vector<32x256xf32>
    %dot_general3A_30 = arith.constant dense<0.000000e+00> : vector<2x256xf32>
    %dot_general3A_31 = tpu.matmul %get3A_28, %slice3A_29, %dot_general3A_30 {dimension_numbers = #tpu.dot_dimension_numbers<[1], [0], [0], [1], [0, 0, 1, 1], [], []>, transpose_lhs_hint = false} : vector<2x32xf32>, vector<32x256xf32>, vector<2x256xf32> -> vector<2x256xf32>
    %get3A_32 = arith.constant 0 : index
    %get3A_33 = arith.constant 0 : index
    %get3A_34 = vector.load %arg5[%get3A_32, %get3A_33] : memref<2x32xf32, #tpu.memory_space<vmem>>, vector<2x32xf32>
    %slice3A_35 = vector.extract_strided_slice %get3A_1 {offsets = [176, 0], sizes = [32, 256], strides = [1, 1]} : vector<208x256xf32> to vector<32x256xf32>
    %dot_general3A_36 = arith.constant dense<0.000000e+00> : vector<2x256xf32>
    %dot_general3A_37 = tpu.matmul %get3A_34, %slice3A_35, %dot_general3A_36 {dimension_numbers = #tpu.dot_dimension_numbers<[1], [0], [0], [1], [0, 0, 1, 1], [], []>, transpose_lhs_hint = false} : vector<2x32xf32>, vector<32x256xf32>, vector<2x256xf32> -> vector<2x256xf32>
    %iota3A = tpu.iota {dimensions = array<i32: 0>} : vector<80x1xi32>
    %jit3A = arith.constant 16 : i32
    %div3A = vector.broadcast %jit3A : i32 to vector<80x1xi32>
    %div3A_38 = arith.divsi %iota3A, %div3A : vector<80x1xi32>
    %sign3A = arith.constant 0 : i32
    %sign3A_39 = vector.broadcast %sign3A : i32 to vector<80x1xi32>
    %sign3A_40 = arith.cmpi sgt, %iota3A, %sign3A_39 : vector<80x1xi32>
    %sign3A_41 = arith.extui %sign3A_40 : vector<80x1xi1> to vector<80x1xi32>
    %sign3A_42 = arith.constant 0 : i32
    %sign3A_43 = vector.broadcast %sign3A_42 : i32 to vector<80x1xi32>
    %sign3A_44 = arith.cmpi slt, %iota3A, %sign3A_43 : vector<80x1xi32>
    %sign3A_45 = arith.extui %sign3A_44 : vector<80x1xi1> to vector<80x1xi32>
    %sign3A_46 = arith.subi %sign3A_41, %sign3A_45 : vector<80x1xi32>
    %sign3A_47 = arith.constant 0 : i32
    %sign3A_48 = arith.cmpi sgt, %jit3A, %sign3A_47 : i32
    %sign3A_49 = arith.extui %sign3A_48 : i1 to i32
    %sign3A_50 = arith.constant 0 : i32
    %sign3A_51 = arith.cmpi slt, %jit3A, %sign3A_50 : i32
    %sign3A_52 = arith.extui %sign3A_51 : i1 to i32
    %sign3A_53 = arith.subi %sign3A_49, %sign3A_52 : i32
    %ne3A = vector.broadcast %sign3A_53 : i32 to vector<80x1xi32>
    %ne3A_54 = arith.cmpi ne, %sign3A_46, %ne3A : vector<80x1xi32>
    %rem3A = vector.broadcast %jit3A : i32 to vector<80x1xi32>
    %rem3A_55 = arith.remsi %iota3A, %rem3A : vector<80x1xi32>
    %ne3A_56 = arith.constant 0 : i32
    %ne3A_57 = vector.broadcast %ne3A_56 : i32 to vector<80x1xi32>
    %ne3A_58 = arith.cmpi ne, %rem3A_55, %ne3A_57 : vector<80x1xi32>
    %and3A = arith.andi %ne3A_54, %ne3A_58 : vector<80x1xi1>
    %sub3A = arith.constant 1 : i32
    %sub3A_59 = vector.broadcast %sub3A : i32 to vector<80x1xi32>
    %sub3A_60 = arith.subi %div3A_38, %sub3A_59 : vector<80x1xi32>
    %select_n3A = arith.select %and3A, %sub3A_60, %div3A_38 : vector<80x1xi1>, vector<80x1xi32>
    %jit3A_61 = arith.constant 8 : i32
    %div3A_62 = vector.broadcast %jit3A_61 : i32 to vector<80x1xi32>
    %div3A_63 = arith.divsi %iota3A, %div3A_62 : vector<80x1xi32>
    %sign3A_64 = arith.constant 0 : i32
    %sign3A_65 = vector.broadcast %sign3A_64 : i32 to vector<80x1xi32>
    %sign3A_66 = arith.cmpi sgt, %iota3A, %sign3A_65 : vector<80x1xi32>
    %sign3A_67 = arith.extui %sign3A_66 : vector<80x1xi1> to vector<80x1xi32>
    %sign3A_68 = arith.constant 0 : i32
    %sign3A_69 = vector.broadcast %sign3A_68 : i32 to vector<80x1xi32>
    %sign3A_70 = arith.cmpi slt, %iota3A, %sign3A_69 : vector<80x1xi32>
    %sign3A_71 = arith.extui %sign3A_70 : vector<80x1xi1> to vector<80x1xi32>
    %sign3A_72 = arith.subi %sign3A_67, %sign3A_71 : vector<80x1xi32>
    %sign3A_73 = arith.constant 0 : i32
    %sign3A_74 = arith.cmpi sgt, %jit3A_61, %sign3A_73 : i32
    %sign3A_75 = arith.extui %sign3A_74 : i1 to i32
    %sign3A_76 = arith.constant 0 : i32
    %sign3A_77 = arith.cmpi slt, %jit3A_61, %sign3A_76 : i32
    %sign3A_78 = arith.extui %sign3A_77 : i1 to i32
    %sign3A_79 = arith.subi %sign3A_75, %sign3A_78 : i32
    %ne3A_80 = vector.broadcast %sign3A_79 : i32 to vector<80x1xi32>
    %ne3A_81 = arith.cmpi ne, %sign3A_72, %ne3A_80 : vector<80x1xi32>
    %rem3A_82 = vector.broadcast %jit3A_61 : i32 to vector<80x1xi32>
    %rem3A_83 = arith.remsi %iota3A, %rem3A_82 : vector<80x1xi32>
    %ne3A_84 = arith.constant 0 : i32
    %ne3A_85 = vector.broadcast %ne3A_84 : i32 to vector<80x1xi32>
    %ne3A_86 = arith.cmpi ne, %rem3A_83, %ne3A_85 : vector<80x1xi32>
    %and3A_87 = arith.andi %ne3A_81, %ne3A_86 : vector<80x1xi1>
    %sub3A_88 = arith.constant 1 : i32
    %sub3A_89 = vector.broadcast %sub3A_88 : i32 to vector<80x1xi32>
    %sub3A_90 = arith.subi %div3A_63, %sub3A_89 : vector<80x1xi32>
    %select_n3A_91 = arith.select %and3A_87, %sub3A_90, %div3A_63 : vector<80x1xi1>, vector<80x1xi32>
    %jit3A_92 = arith.constant 2 : i32
    %eq3A = arith.constant 0 : i32
    %eq3A_93 = arith.cmpi eq, %jit3A_92, %eq3A : i32
    %jit3A_94 = arith.constant 1 : i32
    %select_n3A_95 = arith.select %eq3A_93, %jit3A_94, %jit3A_92 : i32
    %rem3A_96 = vector.broadcast %select_n3A_95 : i32 to vector<80x1xi32>
    %rem3A_97 = arith.remsi %select_n3A_91, %rem3A_96 : vector<80x1xi32>
    %ne3A_98 = arith.constant 0 : i32
    %ne3A_99 = vector.broadcast %ne3A_98 : i32 to vector<80x1xi32>
    %ne3A_100 = arith.cmpi ne, %rem3A_97, %ne3A_99 : vector<80x1xi32>
    %lt3A = arith.constant 0 : i32
    %lt3A_101 = vector.broadcast %lt3A : i32 to vector<80x1xi32>
    %lt3A_102 = arith.cmpi slt, %rem3A_97, %lt3A_101 : vector<80x1xi32>
    %lt3A_103 = arith.constant 0 : i32
    %lt3A_104 = arith.cmpi slt, %select_n3A_95, %lt3A_103 : i32
    %ne3A_105 = vector.broadcast %lt3A_104 : i1 to vector<80x1xi1>
    %ne3A_106 = vector.broadcast %ne3A_105 : vector<80x1xi1> to vector<80x1xi1>
    %ne3A_107 = arith.xori %lt3A_102, %ne3A_106 : vector<80x1xi1>
    %and3A_108 = arith.andi %ne3A_107, %ne3A_100 : vector<80x1xi1>
    %add3A = vector.broadcast %select_n3A_95 : i32 to vector<80x1xi32>
    %add3A_109 = arith.addi %rem3A_97, %add3A : vector<80x1xi32>
    %select_n3A_110 = arith.select %and3A_108, %add3A_109, %rem3A_97 : vector<80x1xi1>, vector<80x1xi32>
    %jit3A_111 = arith.constant 4 : i32
    %div3A_112 = vector.broadcast %jit3A_111 : i32 to vector<80x1xi32>
    %div3A_113 = arith.divsi %iota3A, %div3A_112 : vector<80x1xi32>
    %sign3A_114 = arith.constant 0 : i32
    %sign3A_115 = vector.broadcast %sign3A_114 : i32 to vector<80x1xi32>
    %sign3A_116 = arith.cmpi sgt, %iota3A, %sign3A_115 : vector<80x1xi32>
    %sign3A_117 = arith.extui %sign3A_116 : vector<80x1xi1> to vector<80x1xi32>
    %sign3A_118 = arith.constant 0 : i32
    %sign3A_119 = vector.broadcast %sign3A_118 : i32 to vector<80x1xi32>
    %sign3A_120 = arith.cmpi slt, %iota3A, %sign3A_119 : vector<80x1xi32>
    %sign3A_121 = arith.extui %sign3A_120 : vector<80x1xi1> to vector<80x1xi32>
    %sign3A_122 = arith.subi %sign3A_117, %sign3A_121 : vector<80x1xi32>
    %sign3A_123 = arith.constant 0 : i32
    %sign3A_124 = arith.cmpi sgt, %jit3A_111, %sign3A_123 : i32
    %sign3A_125 = arith.extui %sign3A_124 : i1 to i32
    %sign3A_126 = arith.constant 0 : i32
    %sign3A_127 = arith.cmpi slt, %jit3A_111, %sign3A_126 : i32
    %sign3A_128 = arith.extui %sign3A_127 : i1 to i32
    %sign3A_129 = arith.subi %sign3A_125, %sign3A_128 : i32
    %ne3A_130 = vector.broadcast %sign3A_129 : i32 to vector<80x1xi32>
    %ne3A_131 = arith.cmpi ne, %sign3A_122, %ne3A_130 : vector<80x1xi32>
    %rem3A_132 = vector.broadcast %jit3A_111 : i32 to vector<80x1xi32>
    %rem3A_133 = arith.remsi %iota3A, %rem3A_132 : vector<80x1xi32>
    %ne3A_134 = arith.constant 0 : i32
    %ne3A_135 = vector.broadcast %ne3A_134 : i32 to vector<80x1xi32>
    %ne3A_136 = arith.cmpi ne, %rem3A_133, %ne3A_135 : vector<80x1xi32>
    %and3A_137 = arith.andi %ne3A_131, %ne3A_136 : vector<80x1xi1>
    %sub3A_138 = arith.constant 1 : i32
    %sub3A_139 = vector.broadcast %sub3A_138 : i32 to vector<80x1xi32>
    %sub3A_140 = arith.subi %div3A_113, %sub3A_139 : vector<80x1xi32>
    %select_n3A_141 = arith.select %and3A_137, %sub3A_140, %div3A_113 : vector<80x1xi1>, vector<80x1xi32>
    %jit3A_142 = arith.constant 2 : i32
    %eq3A_143 = arith.constant 0 : i32
    %eq3A_144 = arith.cmpi eq, %jit3A_142, %eq3A_143 : i32
    %jit3A_145 = arith.constant 1 : i32
    %select_n3A_146 = arith.select %eq3A_144, %jit3A_145, %jit3A_142 : i32
    %rem3A_147 = vector.broadcast %select_n3A_146 : i32 to vector<80x1xi32>
    %rem3A_148 = arith.remsi %select_n3A_141, %rem3A_147 : vector<80x1xi32>
    %ne3A_149 = arith.constant 0 : i32
    %ne3A_150 = vector.broadcast %ne3A_149 : i32 to vector<80x1xi32>
    %ne3A_151 = arith.cmpi ne, %rem3A_148, %ne3A_150 : vector<80x1xi32>
    %lt3A_152 = arith.constant 0 : i32
    %lt3A_153 = vector.broadcast %lt3A_152 : i32 to vector<80x1xi32>
    %lt3A_154 = arith.cmpi slt, %rem3A_148, %lt3A_153 : vector<80x1xi32>
    %lt3A_155 = arith.constant 0 : i32
    %lt3A_156 = arith.cmpi slt, %select_n3A_146, %lt3A_155 : i32
    %ne3A_157 = vector.broadcast %lt3A_156 : i1 to vector<80x1xi1>
    %ne3A_158 = vector.broadcast %ne3A_157 : vector<80x1xi1> to vector<80x1xi1>
    %ne3A_159 = arith.xori %lt3A_154, %ne3A_158 : vector<80x1xi1>
    %and3A_160 = arith.andi %ne3A_159, %ne3A_151 : vector<80x1xi1>
    %add3A_161 = vector.broadcast %select_n3A_146 : i32 to vector<80x1xi32>
    %add3A_162 = arith.addi %rem3A_148, %add3A_161 : vector<80x1xi32>
    %select_n3A_163 = arith.select %and3A_160, %add3A_162, %rem3A_148 : vector<80x1xi1>, vector<80x1xi32>
    %jit3A_164 = arith.constant 2 : i32
    %div3A_165 = vector.broadcast %jit3A_164 : i32 to vector<80x1xi32>
    %div3A_166 = arith.divsi %iota3A, %div3A_165 : vector<80x1xi32>
    %sign3A_167 = arith.constant 0 : i32
    %sign3A_168 = vector.broadcast %sign3A_167 : i32 to vector<80x1xi32>
    %sign3A_169 = arith.cmpi sgt, %iota3A, %sign3A_168 : vector<80x1xi32>
    %sign3A_170 = arith.extui %sign3A_169 : vector<80x1xi1> to vector<80x1xi32>
    %sign3A_171 = arith.constant 0 : i32
    %sign3A_172 = vector.broadcast %sign3A_171 : i32 to vector<80x1xi32>
    %sign3A_173 = arith.cmpi slt, %iota3A, %sign3A_172 : vector<80x1xi32>
    %sign3A_174 = arith.extui %sign3A_173 : vector<80x1xi1> to vector<80x1xi32>
    %sign3A_175 = arith.subi %sign3A_170, %sign3A_174 : vector<80x1xi32>
    %sign3A_176 = arith.constant 0 : i32
    %sign3A_177 = arith.cmpi sgt, %jit3A_164, %sign3A_176 : i32
    %sign3A_178 = arith.extui %sign3A_177 : i1 to i32
    %sign3A_179 = arith.constant 0 : i32
    %sign3A_180 = arith.cmpi slt, %jit3A_164, %sign3A_179 : i32
    %sign3A_181 = arith.extui %sign3A_180 : i1 to i32
    %sign3A_182 = arith.subi %sign3A_178, %sign3A_181 : i32
    %ne3A_183 = vector.broadcast %sign3A_182 : i32 to vector<80x1xi32>
    %ne3A_184 = arith.cmpi ne, %sign3A_175, %ne3A_183 : vector<80x1xi32>
    %rem3A_185 = vector.broadcast %jit3A_164 : i32 to vector<80x1xi32>
    %rem3A_186 = arith.remsi %iota3A, %rem3A_185 : vector<80x1xi32>
    %ne3A_187 = arith.constant 0 : i32
    %ne3A_188 = vector.broadcast %ne3A_187 : i32 to vector<80x1xi32>
    %ne3A_189 = arith.cmpi ne, %rem3A_186, %ne3A_188 : vector<80x1xi32>
    %and3A_190 = arith.andi %ne3A_184, %ne3A_189 : vector<80x1xi1>
    %sub3A_191 = arith.constant 1 : i32
    %sub3A_192 = vector.broadcast %sub3A_191 : i32 to vector<80x1xi32>
    %sub3A_193 = arith.subi %div3A_166, %sub3A_192 : vector<80x1xi32>
    %select_n3A_194 = arith.select %and3A_190, %sub3A_193, %div3A_166 : vector<80x1xi1>, vector<80x1xi32>
    %jit3A_195 = arith.constant 2 : i32
    %eq3A_196 = arith.constant 0 : i32
    %eq3A_197 = arith.cmpi eq, %jit3A_195, %eq3A_196 : i32
    %jit3A_198 = arith.constant 1 : i32
    %select_n3A_199 = arith.select %eq3A_197, %jit3A_198, %jit3A_195 : i32
    %rem3A_200 = vector.broadcast %select_n3A_199 : i32 to vector<80x1xi32>
    %rem3A_201 = arith.remsi %select_n3A_194, %rem3A_200 : vector<80x1xi32>
    %ne3A_202 = arith.constant 0 : i32
    %ne3A_203 = vector.broadcast %ne3A_202 : i32 to vector<80x1xi32>
    %ne3A_204 = arith.cmpi ne, %rem3A_201, %ne3A_203 : vector<80x1xi32>
    %lt3A_205 = arith.constant 0 : i32
    %lt3A_206 = vector.broadcast %lt3A_205 : i32 to vector<80x1xi32>
    %lt3A_207 = arith.cmpi slt, %rem3A_201, %lt3A_206 : vector<80x1xi32>
    %lt3A_208 = arith.constant 0 : i32
    %lt3A_209 = arith.cmpi slt, %select_n3A_199, %lt3A_208 : i32
    %ne3A_210 = vector.broadcast %lt3A_209 : i1 to vector<80x1xi1>
    %ne3A_211 = vector.broadcast %ne3A_210 : vector<80x1xi1> to vector<80x1xi1>
    %ne3A_212 = arith.xori %lt3A_207, %ne3A_211 : vector<80x1xi1>
    %and3A_213 = arith.andi %ne3A_212, %ne3A_204 : vector<80x1xi1>
    %add3A_214 = vector.broadcast %select_n3A_199 : i32 to vector<80x1xi32>
    %add3A_215 = arith.addi %rem3A_201, %add3A_214 : vector<80x1xi32>
    %select_n3A_216 = arith.select %and3A_213, %add3A_215, %rem3A_201 : vector<80x1xi1>, vector<80x1xi32>
    %jit3A_217 = arith.constant 2 : i32
    %eq3A_218 = arith.constant 0 : i32
    %eq3A_219 = arith.cmpi eq, %jit3A_217, %eq3A_218 : i32
    %jit3A_220 = arith.constant 1 : i32
    %select_n3A_221 = arith.select %eq3A_219, %jit3A_220, %jit3A_217 : i32
    %rem3A_222 = vector.broadcast %select_n3A_221 : i32 to vector<80x1xi32>
    %rem3A_223 = arith.remsi %iota3A, %rem3A_222 : vector<80x1xi32>
    %ne3A_224 = arith.constant 0 : i32
    %ne3A_225 = vector.broadcast %ne3A_224 : i32 to vector<80x1xi32>
    %ne3A_226 = arith.cmpi ne, %rem3A_223, %ne3A_225 : vector<80x1xi32>
    %lt3A_227 = arith.constant 0 : i32
    %lt3A_228 = vector.broadcast %lt3A_227 : i32 to vector<80x1xi32>
    %lt3A_229 = arith.cmpi slt, %rem3A_223, %lt3A_228 : vector<80x1xi32>
    %lt3A_230 = arith.constant 0 : i32
    %lt3A_231 = arith.cmpi slt, %select_n3A_221, %lt3A_230 : i32
    %ne3A_232 = vector.broadcast %lt3A_231 : i1 to vector<80x1xi1>
    %ne3A_233 = vector.broadcast %ne3A_232 : vector<80x1xi1> to vector<80x1xi1>
    %ne3A_234 = arith.xori %lt3A_229, %ne3A_233 : vector<80x1xi1>
    %and3A_235 = arith.andi %ne3A_234, %ne3A_226 : vector<80x1xi1>
    %add3A_236 = vector.broadcast %select_n3A_221 : i32 to vector<80x1xi32>
    %add3A_237 = arith.addi %rem3A_223, %add3A_236 : vector<80x1xi32>
    %select_n3A_238 = arith.select %and3A_235, %add3A_237, %rem3A_223 : vector<80x1xi1>, vector<80x1xi32>
    %get3A_239 = arith.constant 0 : index
    %get3A_240 = arith.constant 0 : index
    %get3A_241 = vector.load %arg7[%get3A_239, %get3A_240] : memref<1x256xf32, #tpu.memory_space<vmem>>, vector<1x256xf32>
    %eq3A_242 = arith.constant 0 : i32
    %eq3A_243 = vector.broadcast %eq3A_242 : i32 to vector<80x1xi32>
    %eq3A_244 = arith.cmpi eq, %select_n3A, %eq3A_243 : vector<80x1xi32>
    %jit3A_245 = arith.constant 1.000000e+00 : f32
    %jit3A_246 = arith.constant 0.000000e+00 : f32
    %broadcast_in_dim3A = vector.broadcast %jit3A_245 : f32 to vector<80x1xf32>
    %broadcast_in_dim3A_247 = vector.broadcast %jit3A_246 : f32 to vector<80x1xf32>
    %select_n3A_248 = arith.select %eq3A_244, %broadcast_in_dim3A, %broadcast_in_dim3A_247 : vector<80x1xi1>, vector<80x1xf32>
    %slice3A_249 = vector.extract_strided_slice %dot_general3A_13 {offsets = [0, 0], sizes = [1, 256], strides = [1, 1]} : vector<5x256xf32> to vector<1x256xf32>
    %mul3A = vector.broadcast %select_n3A_248 : vector<80x1xf32> to vector<80x256xf32>
    %mul3A_250 = vector.broadcast %slice3A_249 : vector<1x256xf32> to vector<80x256xf32>
    %mul3A_251 = arith.mulf %mul3A, %mul3A_250 : vector<80x256xf32>
    %add3A_252 = vector.broadcast %get3A_241 : vector<1x256xf32> to vector<80x256xf32>
    %add3A_253 = arith.addf %add3A_252, %mul3A_251 : vector<80x256xf32>
    %eq3A_254 = arith.constant 1 : i32
    %eq3A_255 = vector.broadcast %eq3A_254 : i32 to vector<80x1xi32>
    %eq3A_256 = arith.cmpi eq, %select_n3A, %eq3A_255 : vector<80x1xi32>
    %jit3A_257 = arith.constant 1.000000e+00 : f32
    %jit3A_258 = arith.constant 0.000000e+00 : f32
    %broadcast_in_dim3A_259 = vector.broadcast %jit3A_257 : f32 to vector<80x1xf32>
    %broadcast_in_dim3A_260 = vector.broadcast %jit3A_258 : f32 to vector<80x1xf32>
    %select_n3A_261 = arith.select %eq3A_256, %broadcast_in_dim3A_259, %broadcast_in_dim3A_260 : vector<80x1xi1>, vector<80x1xf32>
    %slice3A_262 = vector.extract_strided_slice %dot_general3A_13 {offsets = [1, 0], sizes = [1, 256], strides = [1, 1]} : vector<5x256xf32> to vector<1x256xf32>
    %mul3A_263 = vector.broadcast %select_n3A_261 : vector<80x1xf32> to vector<80x256xf32>
    %mul3A_264 = vector.broadcast %slice3A_262 : vector<1x256xf32> to vector<80x256xf32>
    %mul3A_265 = arith.mulf %mul3A_263, %mul3A_264 : vector<80x256xf32>
    %add3A_266 = arith.addf %add3A_253, %mul3A_265 : vector<80x256xf32>
    %eq3A_267 = arith.constant 2 : i32
    %eq3A_268 = vector.broadcast %eq3A_267 : i32 to vector<80x1xi32>
    %eq3A_269 = arith.cmpi eq, %select_n3A, %eq3A_268 : vector<80x1xi32>
    %jit3A_270 = arith.constant 1.000000e+00 : f32
    %jit3A_271 = arith.constant 0.000000e+00 : f32
    %broadcast_in_dim3A_272 = vector.broadcast %jit3A_270 : f32 to vector<80x1xf32>
    %broadcast_in_dim3A_273 = vector.broadcast %jit3A_271 : f32 to vector<80x1xf32>
    %select_n3A_274 = arith.select %eq3A_269, %broadcast_in_dim3A_272, %broadcast_in_dim3A_273 : vector<80x1xi1>, vector<80x1xf32>
    %slice3A_275 = vector.extract_strided_slice %dot_general3A_13 {offsets = [2, 0], sizes = [1, 256], strides = [1, 1]} : vector<5x256xf32> to vector<1x256xf32>
    %mul3A_276 = vector.broadcast %select_n3A_274 : vector<80x1xf32> to vector<80x256xf32>
    %mul3A_277 = vector.broadcast %slice3A_275 : vector<1x256xf32> to vector<80x256xf32>
    %mul3A_278 = arith.mulf %mul3A_276, %mul3A_277 : vector<80x256xf32>
    %add3A_279 = arith.addf %add3A_266, %mul3A_278 : vector<80x256xf32>
    %eq3A_280 = arith.constant 3 : i32
    %eq3A_281 = vector.broadcast %eq3A_280 : i32 to vector<80x1xi32>
    %eq3A_282 = arith.cmpi eq, %select_n3A, %eq3A_281 : vector<80x1xi32>
    %jit3A_283 = arith.constant 1.000000e+00 : f32
    %jit3A_284 = arith.constant 0.000000e+00 : f32
    %broadcast_in_dim3A_285 = vector.broadcast %jit3A_283 : f32 to vector<80x1xf32>
    %broadcast_in_dim3A_286 = vector.broadcast %jit3A_284 : f32 to vector<80x1xf32>
    %select_n3A_287 = arith.select %eq3A_282, %broadcast_in_dim3A_285, %broadcast_in_dim3A_286 : vector<80x1xi1>, vector<80x1xf32>
    %slice3A_288 = vector.extract_strided_slice %dot_general3A_13 {offsets = [3, 0], sizes = [1, 256], strides = [1, 1]} : vector<5x256xf32> to vector<1x256xf32>
    %mul3A_289 = vector.broadcast %select_n3A_287 : vector<80x1xf32> to vector<80x256xf32>
    %mul3A_290 = vector.broadcast %slice3A_288 : vector<1x256xf32> to vector<80x256xf32>
    %mul3A_291 = arith.mulf %mul3A_289, %mul3A_290 : vector<80x256xf32>
    %add3A_292 = arith.addf %add3A_279, %mul3A_291 : vector<80x256xf32>
    %eq3A_293 = arith.constant 4 : i32
    %eq3A_294 = vector.broadcast %eq3A_293 : i32 to vector<80x1xi32>
    %eq3A_295 = arith.cmpi eq, %select_n3A, %eq3A_294 : vector<80x1xi32>
    %jit3A_296 = arith.constant 1.000000e+00 : f32
    %jit3A_297 = arith.constant 0.000000e+00 : f32
    %broadcast_in_dim3A_298 = vector.broadcast %jit3A_296 : f32 to vector<80x1xf32>
    %broadcast_in_dim3A_299 = vector.broadcast %jit3A_297 : f32 to vector<80x1xf32>
    %select_n3A_300 = arith.select %eq3A_295, %broadcast_in_dim3A_298, %broadcast_in_dim3A_299 : vector<80x1xi1>, vector<80x1xf32>
    %slice3A_301 = vector.extract_strided_slice %dot_general3A_13 {offsets = [4, 0], sizes = [1, 256], strides = [1, 1]} : vector<5x256xf32> to vector<1x256xf32>
    %mul3A_302 = vector.broadcast %select_n3A_300 : vector<80x1xf32> to vector<80x256xf32>
    %mul3A_303 = vector.broadcast %slice3A_301 : vector<1x256xf32> to vector<80x256xf32>
    %mul3A_304 = arith.mulf %mul3A_302, %mul3A_303 : vector<80x256xf32>
    %add3A_305 = arith.addf %add3A_292, %mul3A_304 : vector<80x256xf32>
    %eq3A_306 = arith.constant 1 : i32
    %eq3A_307 = vector.broadcast %eq3A_306 : i32 to vector<80x1xi32>
    %eq3A_308 = arith.cmpi eq, %select_n3A_110, %eq3A_307 : vector<80x1xi32>
    %slice3A_309 = vector.extract_strided_slice %dot_general3A_19 {offsets = [1, 0], sizes = [1, 256], strides = [1, 1]} : vector<2x256xf32> to vector<1x256xf32>
    %slice3A_310 = vector.extract_strided_slice %dot_general3A_19 {offsets = [0, 0], sizes = [1, 256], strides = [1, 1]} : vector<2x256xf32> to vector<1x256xf32>
    %broadcast_in_dim3A_311 = vector.shape_cast %eq3A_308 : vector<80x1xi1> to vector<80x1xi1>
    %broadcast_in_dim3A_312 = vector.broadcast %broadcast_in_dim3A_311 : vector<80x1xi1> to vector<80x256xi1>
    %broadcast_in_dim3A_313 = vector.shape_cast %slice3A_309 : vector<1x256xf32> to vector<1x256xf32>
    %broadcast_in_dim3A_314 = vector.broadcast %broadcast_in_dim3A_313 : vector<1x256xf32> to vector<80x256xf32>
    %broadcast_in_dim3A_315 = vector.shape_cast %slice3A_310 : vector<1x256xf32> to vector<1x256xf32>
    %broadcast_in_dim3A_316 = vector.broadcast %broadcast_in_dim3A_315 : vector<1x256xf32> to vector<80x256xf32>
    %select_n3A_317 = arith.select %broadcast_in_dim3A_312, %broadcast_in_dim3A_314, %broadcast_in_dim3A_316 : vector<80x256xi1>, vector<80x256xf32>
    %add3A_318 = arith.addf %add3A_305, %select_n3A_317 : vector<80x256xf32>
    %eq3A_319 = arith.constant 1 : i32
    %eq3A_320 = vector.broadcast %eq3A_319 : i32 to vector<80x1xi32>
    %eq3A_321 = arith.cmpi eq, %select_n3A_163, %eq3A_320 : vector<80x1xi32>
    %slice3A_322 = vector.extract_strided_slice %dot_general3A_25 {offsets = [1, 0], sizes = [1, 256], strides = [1, 1]} : vector<2x256xf32> to vector<1x256xf32>
    %slice3A_323 = vector.extract_strided_slice %dot_general3A_25 {offsets = [0, 0], sizes = [1, 256], strides = [1, 1]} : vector<2x256xf32> to vector<1x256xf32>
    %broadcast_in_dim3A_324 = vector.shape_cast %eq3A_321 : vector<80x1xi1> to vector<80x1xi1>
    %broadcast_in_dim3A_325 = vector.broadcast %broadcast_in_dim3A_324 : vector<80x1xi1> to vector<80x256xi1>
    %broadcast_in_dim3A_326 = vector.shape_cast %slice3A_322 : vector<1x256xf32> to vector<1x256xf32>
    %broadcast_in_dim3A_327 = vector.broadcast %broadcast_in_dim3A_326 : vector<1x256xf32> to vector<80x256xf32>
    %broadcast_in_dim3A_328 = vector.shape_cast %slice3A_323 : vector<1x256xf32> to vector<1x256xf32>
    %broadcast_in_dim3A_329 = vector.broadcast %broadcast_in_dim3A_328 : vector<1x256xf32> to vector<80x256xf32>
    %select_n3A_330 = arith.select %broadcast_in_dim3A_325, %broadcast_in_dim3A_327, %broadcast_in_dim3A_329 : vector<80x256xi1>, vector<80x256xf32>
    %add3A_331 = arith.addf %add3A_318, %select_n3A_330 : vector<80x256xf32>
    %eq3A_332 = arith.constant 1 : i32
    %eq3A_333 = vector.broadcast %eq3A_332 : i32 to vector<80x1xi32>
    %eq3A_334 = arith.cmpi eq, %select_n3A_216, %eq3A_333 : vector<80x1xi32>
    %slice3A_335 = vector.extract_strided_slice %dot_general3A_31 {offsets = [1, 0], sizes = [1, 256], strides = [1, 1]} : vector<2x256xf32> to vector<1x256xf32>
    %slice3A_336 = vector.extract_strided_slice %dot_general3A_31 {offsets = [0, 0], sizes = [1, 256], strides = [1, 1]} : vector<2x256xf32> to vector<1x256xf32>
    %broadcast_in_dim3A_337 = vector.shape_cast %eq3A_334 : vector<80x1xi1> to vector<80x1xi1>
    %broadcast_in_dim3A_338 = vector.broadcast %broadcast_in_dim3A_337 : vector<80x1xi1> to vector<80x256xi1>
    %broadcast_in_dim3A_339 = vector.shape_cast %slice3A_335 : vector<1x256xf32> to vector<1x256xf32>
    %broadcast_in_dim3A_340 = vector.broadcast %broadcast_in_dim3A_339 : vector<1x256xf32> to vector<80x256xf32>
    %broadcast_in_dim3A_341 = vector.shape_cast %slice3A_336 : vector<1x256xf32> to vector<1x256xf32>
    %broadcast_in_dim3A_342 = vector.broadcast %broadcast_in_dim3A_341 : vector<1x256xf32> to vector<80x256xf32>
    %select_n3A_343 = arith.select %broadcast_in_dim3A_338, %broadcast_in_dim3A_340, %broadcast_in_dim3A_342 : vector<80x256xi1>, vector<80x256xf32>
    %add3A_344 = arith.addf %add3A_331, %select_n3A_343 : vector<80x256xf32>
    %eq3A_345 = arith.constant 1 : i32
    %eq3A_346 = vector.broadcast %eq3A_345 : i32 to vector<80x1xi32>
    %eq3A_347 = arith.cmpi eq, %select_n3A_238, %eq3A_346 : vector<80x1xi32>
    %slice3A_348 = vector.extract_strided_slice %dot_general3A_37 {offsets = [1, 0], sizes = [1, 256], strides = [1, 1]} : vector<2x256xf32> to vector<1x256xf32>
    %slice3A_349 = vector.extract_strided_slice %dot_general3A_37 {offsets = [0, 0], sizes = [1, 256], strides = [1, 1]} : vector<2x256xf32> to vector<1x256xf32>
    %broadcast_in_dim3A_350 = vector.shape_cast %eq3A_347 : vector<80x1xi1> to vector<80x1xi1>
    %broadcast_in_dim3A_351 = vector.broadcast %broadcast_in_dim3A_350 : vector<80x1xi1> to vector<80x256xi1>
    %broadcast_in_dim3A_352 = vector.shape_cast %slice3A_348 : vector<1x256xf32> to vector<1x256xf32>
    %broadcast_in_dim3A_353 = vector.broadcast %broadcast_in_dim3A_352 : vector<1x256xf32> to vector<80x256xf32>
    %broadcast_in_dim3A_354 = vector.shape_cast %slice3A_349 : vector<1x256xf32> to vector<1x256xf32>
    %broadcast_in_dim3A_355 = vector.broadcast %broadcast_in_dim3A_354 : vector<1x256xf32> to vector<80x256xf32>
    %select_n3A_356 = arith.select %broadcast_in_dim3A_351, %broadcast_in_dim3A_353, %broadcast_in_dim3A_355 : vector<80x256xi1>, vector<80x256xf32>
    %add3A_357 = arith.addf %add3A_344, %select_n3A_356 : vector<80x256xf32>
    %swap3A_358 = arith.constant 0 : index
    %swap3A_359 = arith.constant 0 : index
    %swap3A_360 = vector.load %arg9[%swap3A_358, %swap3A_359] : memref<80x256xf32, #tpu.memory_space<vmem>>, vector<80x256xf32>
    tpu.vector_store %arg9[%swap3A_358, %swap3A_359], %add3A_357 {strides = array<i32>} : memref<80x256xf32, #tpu.memory_space<vmem>>, vector<80x256xf32>,
    return
  }
}

</mosaic_0001>

<sc_bundles>
// kernel: kernel.5.cloned.1.call-start
scs
__scs_entry_jumppad:
0x0: {  	(pc) =	sbr.rel $0x88, $3  }
0x1: {  	(tag) =	ssettag $0x0;
	lr =	simm.s32 $0x1  }
0x2: {  	[smem:$0x3F93] =	sst lr;
	_ =	strace $0xD0000000  }
0x3: {  	_ = 	snop  }
0x4: {  	_ = 	snop  }
0x5: {  	_ = 	snop  }
0x6: {  	_ = 	snop  }
0x7: {  	_ = 	snop  }
__scs_overlays_trampoline_lowered:
0x8: {  	[smem:$0x3FA2] =	sst s0  }
0x9: {  	[smem:$0x3FA3] =	sst s1  }
0xa: {  	[smem:$0x3FA4] =	sst s2  }
0xb: {  	[smem:$0x3FA5] =	sst s3  }
0xc: {  	[smem:$0x3FA6] =	sst s4  }
0xd: {  	[smem:$0x3FA7] =	sst s5  }
0xe: {  	[smem:$0x3FA8] =	sst s6  }
0xf: {  	[smem:$0x3FA9] =	sst s7  }
0x10: {  	[smem:$0x3FAA] =	sst s8  }
0x11: {  	[smem:$0x3FAB] =	sst s9;
	s0 =	simm.s32 @!p0 $0x0  }
0x12: {  	s1 =	sld [smem:$0x3F91];
	s0 =	simm.s32 @p0 $0x1  }
0x13: {  	[smem:$0x3FAC] =	sst s0;
	s0 =	simm.s32 @!p1 $0x0  }
0x14: {  	s2 =	sld [smem:$0x3F90];
	s0 =	simm.s32 @p1 $0x1  }
0x15: {  	[smem:$0x3FAD] =	sst s0;
	s0 =	simm.s32 @!p2 $0x0  }
0x16: {  	s3 =	sld [smem:$0x3FDB];
	s0 =	simm.s32 @p2 $0x1  }
0x17: {  	s4 =	simm.s32 $0x1BF5;
	[smem:$0x3FAF] =	sst s0  }
0x18: {  	s0 =	sld [smem:$0x3F92];
	_ =	swait.ge [sflag:s4], $0x0  }
0x19: {  	s7 =	sld [smem:$0x3F93]  }
0x1a: {  	s8 =	sadd.s32 $0xFFFFE003, lr  }
0x1b: {  	s9 =	sadd.s32 $0xFFFFFEF7, lr;
	s5 =	simm.s32 $0xFFFFFFFF;
	p2 =	slt.u32 s8, $0xFFFFF086  }
0x1c: {  	p1 =	slt.u32 s9, $0xF7A;
	s5 =	simm.s32 @!p2 $0x0  }
0x1d: {  	s5 =	simm.s32 @p1 $0x1;
	p0 =	seq.s32 s7, s2  }
0x1e: {  	s7 =	smul.u32 @!p0 $0xF7A, s2;
	p2 =	seq.s32 @!p0 s5, $0x0  }
0x1f: {  	s9 =	smul.u32 $0xF7A, s1;
	s8 =	simm.s32 @!p0 $0x1BF5;
	p2 =	por !p2, p0  }
0x20: {  	[sflag:s8] =	ssyncset.s32 @!p0 $0xFFFFF086;
	s6 =	sadd.s32 @!p0 s3, s7;
	s7 =	simm.s32 @!p0 $0x108  }
0x21: {  	s3 =	sadd.s32 s3, s9;
	s6 =	sadd.s32 @!p0 $0x88, s6;
	s7 =	simm.s32 @p2 $0x1082  }
0x22: {  	[simem:s7], [sflag:s8] =	dma.local @!p0 [hbm:s6], $0xF7A  }
0x23: {  	s9 =	sor.u32 $0xD0000000, s2;
	s6 =	simm.s32 $0x108;
	_ =	swait.ge @!p0 [sflag:s8], $0x0  }
0x24: {  	s3 =	sadd.s32 $0x88, s3;
	s6 =	simm.s32 @!p1 $0x1082;
	[sflag:s4] =	ssyncset.s32 $0xFFFFF086  }
0x25: {  	[simem:s6], [sflag:s4] =	dma.local [hbm:s3], $0xF7A  }
0x26: {  	[smem:$0x3F93] =	sst s1;
	(tag) =	ssettag s2;
	_ =	strace s9  }
0x27: {  	s1 =	sld [smem:$0x3FA3]  }
0x28: {  	s2 =	sld [smem:$0x3FA4]  }
0x29: {  	s4 =	sld [smem:$0x3FA6]  }
0x2a: {  	p0 =	seq.s32 s5, $0x0;
	s5 =	sld [smem:$0x3FA7]  }
0x2b: {  	s6 =	sld [smem:$0x3FA8]  }
0x2c: {  	s7 =	sld [smem:$0x3FA9]  }
0x2d: {  	s3 =	simm.s32 $0x108;
	s8 =	sld [smem:$0x3FAA]  }
0x2e: {  	s3 =	simm.s32 @!p0 $0x1082;
	s9 =	sld [smem:$0x3FAB]  }
0x2f: {  	lr =	sadd.s32 s0, s3;
	s0 =	sld [smem:$0x3FA2]  }
0x30: {  	s3 =	sld [smem:$0x3FA5]  }
0x31: {  	[smem:$0x3FAE] =	sst s10  }
0x32: {  	s10 =	sld [smem:$0x3FAC];
	_ =	sdelay $0x3  }
0x33: {  	p0 =	seq.s32 s10, $0x1;
	s10 =	sld [smem:$0x3FAE];
	_ =	sdelay $0x3  }
0x34: {  	[smem:$0x3FAE] =	sst s10  }
0x35: {  	s10 =	sld [smem:$0x3FAD];
	_ =	sdelay $0x3  }
0x36: {  	p1 =	seq.s32 s10, $0x1;
	s10 =	sld [smem:$0x3FAE];
	_ =	sdelay $0x3  }
0x37: {  	[smem:$0x3FAE] =	sst s10  }
0x38: {  	s10 =	sld [smem:$0x3FAF]  }
0x39: {  	_ = 	snop;
	(pc) =	sbr.ind lr, $3  }
0x3a: {  	_ = 	snop  }
0x3b: {  	_ = 	snop  }
0x3c: {  	p2 =	seq.s32 s10, $0x1;
	s10 =	sld [smem:$0x3FAE]  }
0x3d: {  	_ =	shalt  }
0x3e: {  	_ =	shalt  }
0x3f: {  	_ =	shalt  }
0x40: {  	_ =	shalt  }
0x41: {  	_ =	shalt  }
0x42: {  	_ =	shalt  }
0x43: {  	_ =	shalt  }
0x44: {  	_ =	shalt  }
0x45: {  	_ =	shalt  }
0x46: {  	_ =	shalt  }
0x47: {  	_ =	shalt  }
0x48: {  	_ =	shalt  }
0x49: {  	_ =	shalt  }
0x4a: {  	_ =	shalt  }
0x4b: {  	_ =	shalt  }
0x4c: {  	_ =	shalt  }
0x4d: {  	_ =	shalt  }
0x4e: {  	_ =	shalt  }
0x4f: {  	_ =	shalt  }
0x50: {  	_ =	shalt  }
0x51: {  	_ =	shalt  }
0x52: {  	_ =	shalt  }
0x53: {  	_ =	shalt  }
0x54: {  	_ =	shalt  }
0x55: {  	_ =	shalt  }
0x56: {  	_ =	shalt  }
0x57: {  	_ =	shalt  }
0x58: {  	_ =	shalt  }
0x59: {  	_ =	shalt  }
0x5a: {  	_ =	shalt  }
0x5b: {  	_ =	shalt  }
0x5c: {  	_ =	shalt  }
0x5d: {  	_ =	shalt  }
0x5e: {  	_ =	shalt  }
0x5f: {  	_ =	shalt  }
0x60: {  	_ =	shalt  }
0x61: {  	_ =	shalt  }
0x62: {  	_ =	shalt  }
0x63: {  	_ =	shalt  }
0x64: {  	_ =	shalt  }
0x65: {  	_ =	shalt  }
0x66: {  	_ =	shalt  }
0x67: {  	_ =	shalt  }
0x68: {  	_ =	shalt  }
0x69: {  	_ =	shalt  }
0x6a: {  	_ =	shalt  }
0x6b: {  	_ =	shalt  }
0x6c: {  	_ =	shalt  }
0x6d: {  	_ =	shalt  }
0x6e: {  	_ =	shalt  }
0x6f: {  	_ =	shalt  }
0x70: {  	_ =	shalt  }
0x71: {  	_ =	shalt  }
0x72: {  	_ =	shalt  }
0x73: {  	_ =	shalt  }
0x74: {  	_ =	shalt  }
0x75: {  	_ =	shalt  }
0x76: {  	_ =	shalt  }
0x77: {  	_ =	shalt  }
0x78: {  	_ =	shalt  }
0x79: {  	_ =	shalt  }
0x7a: {  	_ =	shalt  }
0x7b: {  	_ =	shalt  }
0x7c: {  	_ =	shalt  }
0x7d: {  	_ =	shalt  }
0x7e: {  	_ =	shalt  }
0x7f: {  	_ =	shalt  }
0x80: {  	_ =	shalt  }
0x81: {  	_ =	shalt  }
0x82: {  	_ =	shalt  }
0x83: {  	_ =	shalt  }
0x84: {  	_ =	shalt  }
0x85: {  	_ =	shalt  }
0x86: {  	_ =	shalt  }
0x87: {  	_ =	shalt  }
.Lfunc_end0:
.L_simem_size_0:
called_computation_lowered:
.L_overlay_start_0:
0x88: {  	s2 =	sld [smem:$0x3FD9]  }
0x89: {  	s3 =	sld [smem:$0x3FFE];
	_ =	sdelay $0x1  }
0x8a: {  	s1 =	srdreg.scid  }
0x8b: {  	s0 =	sand.u32 $0x1, s1  }
0x8c: {  	s17 =	sshll.u32 s0, $0xA;
	s2 =	sadd.s32 s3, s2  }
0x8d: {  	s2 =	sadd.s32 s2, s17  }
0x8e: {  	[smem:$0x3FBA] =	sst s2  }
0x8f: {  	_ = 	snop  }
0x90: {  	s2 =	sld [smem:$0x3FC9]  }
0x91: {  	s18 =	sld [smem:$0x3FC8]  }
0x92: {  	s4 =	sld [smem:$0x3FC7]  }
0x93: {  	s5 =	sld [smem:$0x3FC6]  }
0x94: {  	s6 =	sld [smem:$0x3FC5]  }
0x95: {  	s7 =	sld [smem:$0x3FC4]  }
0x96: {  	s8 =	sld [smem:$0x3FD0];
	(tm) =	ssettm $0x1  }
0x97: {  	s9 =	sld [smem:$0x3FFB];
	_ =	sdelay $0x3  }
0x98: {  	_ =	strace s9  }
0x99: {  	s9 =	sld [smem:$0x3FFC];
	_ =	sdelay $0x3  }
0x9a: {  	_ =	strace s9  }
0x9b: {  	s9 =	sld [smem:$0x3FFD];
	_ =	sdelay $0x3  }
0x9c: {  	_ =	strace s9  }
0x9d: {  	_ =	strace $0x8FFFFFFF  }
0x9e: {  	s19 =	sld [smem:$0x3FDB];
	_ =	sdelay $0x1  }
0x9f: {  	s10 =	simm.s32 $_scs_section_size  }
0xa0: {  	s11 =	simm.s32 $_size__tile_overlayer_lowered;
	s12 =	simm.s32 $_tile_overlayer_lowered  }
0xa1: {  	s22 =	simm.s32 $0x1BFF;
	s21 =	sshll.u32 s12, $0x1;
	s9 =	sadd.s32 s10, s19  }
0xa2: {  	s13 =	simm.s32 $0x0;
	s20 =	sshll.u32 s11, $0x1;
	s11 =	sadd.s32 s21, s9  }
0xa3: {  	[timem:s13], [sflag:s22] =	dma.local [hbm:s11], s20  }
0xa4: {  	_ =	swait.ge [sflag:s22], s20  }
0xa5: {  	s10 =	ssub.s32 $0x0, s20;
	[sflag:s22] =	ssyncset.done $0x0  }
0xa6: {  	[sflag:s22] =	ssyncadd.s32 s10;
	_ =	sdelay $0x1  }
0xa7: {  	s23 =	simm.s32 $0x1B8B  }
0xa8: {  	_ =	swait.ge [sflag:s23], $0x1  }
0xa9: {  	[sflag:s23] =	ssyncset.done $0x0  }
0xaa: {  	s25 =	simm.s32 $0x1B8E;
	s24 =	sld [smem:$0x3FFE];
	[sflag:s23] =	ssyncadd.s32 $0xFFFFFFFF  }
0xab: {  	s26 =	simm.s32 $execute0_lowered;
	[smem:$0x3FD2] =	sst s25  }
0xac: {  	s11 =	sshll.u32 s26, $0x1;
	_ =	strace $0x80000046;
	[dreg:$0x1] =	wrdreg $0xFFFFFFFF  }
0xad: {  	s28 =	simm.s32 $_size_execute0_lowered;
	s9 =	sadd.s32 s9, s11;
	[dreg:$0x0] =	wrdreg $0x0  }
0xae: {  	s11 =	sshll.u32 s28, $0x1;
	[dreg:$0x2] =	wrdreg s9  }
0xaf: {  	[dreg:$0x3] =	wrdreg s11  }
0xb0: {  	[dreg:$0x4] =	wrdreg $0xC0  }
0xb1: {  	_ =	task [dreg:s13], $0x5FFFF  }
0xb2: {  	[dreg:$0x1] =	wrdreg $0xFFFFFFFF  }
0xb3: {  	[dreg:$0x0] =	wrdreg $0x60  }
0xb4: {  	[dreg:$0x2] =	wrdreg s2  }
0xb5: {  	[dreg:$0x3] =	wrdreg s18  }
0xb6: {  	[dreg:$0x4] =	wrdreg s4  }
0xb7: {  	[dreg:$0x5] =	wrdreg s5  }
0xb8: {  	[dreg:$0x6] =	wrdreg s6  }
0xb9: {  	[dreg:$0x7] =	wrdreg s7  }
0xba: {  	[dreg:$0x8] =	wrdreg s24  }
0xbb: {  	[dreg:$0x9] =	wrdreg s8  }
0xbc: {  	[dreg:$0xa] =	wrdreg $0x9  }
0xbd: {  	_ =	task.clear_ibuf [dreg:s13], $0xBFFFF;
	_ =	strace $0x90000046  }
0xbe: {  	s29 =	simm.s32 $0x9;
	_ =	strace $0x80000048  }
0xbf: {  	_ =	swait.ge [sflag:s29], $0x1  }
0xc0: {  	[sflag:s29] =	ssyncadd.s32 $0xFFFFFFFF  }
0xc1: {  	_ =	strace $0x90000048  }
0xc2: {  	_ =	sfence  }
0xc3: {  	s30 =	sld [smem:$0x0];
	_ =	sdelay $0x2  }
0xc4: {  	s31 =	sshll.u32 s1, $0xD;
	s1 =	sshrl.u32 s1, $0x2  }
0xc5: {  	s3 =	sand.u32 $0x4000, s31;
	s1 =	sadd.s32 s1, s30  }
0xc6: {  	s0 =	sor.u32 s3, s0;
	s1 =	sshll.u32 s1, $0x11  }
0xc7: {  	s0 =	sor.u32 s1, s0  }
0xc8: {  	s0 =	sadd.s32 $0x8F2B, s0  }
0xc9: {  	[sflag:s0] =	ssyncadd.remote.s32 $0x1  }
0xca: {  	_ =	sfence.sel $0xFFFF  }
0xcb: {  	[dreg:$0x0] =	wrdreg $0xFFFFFFFF;
	(pc) =	sbr.abs _section_cstart, $3  }
0xcc: {  	[dreg:$0x1] =	wrdreg $0xFFFFFFFF  }
0xcd: {  	_ =	task.clear_ibuf [dreg:s13], $0x2FFFF;
	_ =	strace $0x9FFFFFFF  }
0xce: {  	(tm) =	ssettm $0x7FFFFFFF  }
0xcf: {  	_ =	shalt  }
tec
execute0_lowered:
.L_overlay_start_1:
0x0: {  	(tag) =	ssettag $0x1  }
0x1: {  	s0 =	rddreg [dreg:$0x6]  }
0x2: {  	s1 =	rddreg [dreg:$0x7];
	s2 =	simm.s32 $0x0;
	s25 =	srdreg.scid;
	v0 =	vimm.s32 $0xECA86420;
	vm0 =	vcmask $0xB08;
	vm1 =	vcmask $0x1310  }
0x3: {  	s6 =	stileid.u32;
	vm2 =	vcmask $0x1B18;
	vm4 =	vcmask $0x300;
	vm5 =	vcmask $0x2320;
	[smem:$0x7FF] =	sst s2;
	s2 =	sand.u32 $0x1, s25  }
0x4: {  	vm6 =	vcmask $0x2B28;
	vm7 =	vcmask $0x3330;
	v4 =	vlaneseq.u32;
	s7 =	sadd.s32 $0x1400, s0;
	s4 =	sshll.u32 s6, $0xF;
	s29 =	sshll.u32 s6, $0x14  }
0x5: {  	vm9 =	vcmask $0x3B38;
	vm8 =	vmmov $0xff;
	vm11 =	vcmask $0xF0C;
	_ =	strace $0x80000047;
	s26 =	ssub.s32 $0x2, s2;
	s5 =	sshll.u32 s2, $0xE  }
.Ltmp0:
0x6: {  	vm12 =	vcmask $0x1714;
	vm13 =	vcmask $0x1F1C;
	vm14 =	vcmask $0x2724;
	s30 =	sadd.s32 s29, s1;
	s3 =	sshrl.u32 s26, $0x1;
	(pc) =	sbr.rel .LBB2_1-.Ltmp0, $4  }
0x7: {  	vm15 =	vcmask $0x2F2C;
	vm3 =	vcmask $0x3734;
	vm10 =	vmmov $0xffff;
	[dreg:$0xd] =	wrdreg s7;
	s28 =	sor.u32 s5, s4;
	s0 =	ssub.s32 s26, s3  }
0x8: {  	v5 =	vimm.s32 $0x0;
	v0 =	vunpack.c.l.s4.s8 v0;
	v1 =	vmul.u32 $0x2, v4;
	s31 =	sshll.u32 s2, $0x13;
	[dreg:$0xe] =	wrdreg s28;
	s0 =	smax.u32 s0, $0x1  }
0x9: {  	v2 =	vand.u32 $0x7, v4;
	v3 =	vshrl.u32 v4, $0x3;
	v5 =	vsel vm10, $0xFFFFFFFF, v5;
	[dreg:$0xf] =	wrdreg s0;
	s0 =	sadd.s32 s31, s30  }
0xa: {  	v4 =	vor.u32 $0x8, v4;
	v3 =	vmul.u32 $0x8, v3;
	s2 =	simm.s32 $0x0;
	[tilespmem:$0x1FFF0] =	vst v5;
	v0 =	vunpack.c.0.s8.s32 v0;
	[dreg:$0x10] =	wrdreg s0  }
.LBB2_8:
0xb: {  	s0 =	simm.s32 $0x6  }
0xc: {  	_ =	swait.ge [sflag:s0], $0x4000  }
0xd: {  	[sflag:s0] =	ssyncset.done $0x0  }
0xe: {  	s29 =	simm.s32 $0x7;
	[sflag:s0] =	ssyncadd.s32 $0xFFFFC000  }
0xf: {  	_ =	swait.ge [sflag:s29], $0x4000  }
0x10: {  	[sflag:s29] =	ssyncset.done $0x0  }
0x11: {  	s30 =	simm.s32 $0x8;
	[sflag:s29] =	ssyncadd.s32 $0xFFFFC000  }
0x12: {  	_ =	swait.ge [sflag:s30], $0x4000  }
0x13: {  	[sflag:s30] =	ssyncset.done $0x0  }
0x14: {  	s1 =	simm.s32 $0x9;
	[sflag:s30] =	ssyncadd.s32 $0xFFFFC000  }
0x15: {  	_ =	swait.ge [sflag:s1], $0x4000  }
0x16: {  	s2 =	rddreg [dreg:$0x11]  }
0x17: {  	s31 =	rddreg [dreg:$0xf];
	s2 =	sadd.s32 $0x1, s2  }
0x18: {  	p0 =	sne.s32 s2, s31  }
.Ltmp1:
0x19: {  	_ = 	snop;
	(pc) =	sbr.rel @!p0 .LBB2_9-.Ltmp1, $3  }
0x1a: {  	_ =	sdelay $0x1  }
0x1b: {  	[sflag:s1] =	ssyncset.done $0x0  }
0x1c: {  	[sflag:s1] =	ssyncadd.s32 $0xFFFFC000  }
.LBB2_1:
.Ltmp2:
0x1d: {  	(pc) =	sbr.rel .LBB2_2-.Ltmp2, $4  }
0x1e: {  	_ = 	snop  }
0x1f: {  	[dreg:$0x11] =	wrdreg s2  }
0x20: {  	s0 =	rddreg [dreg:$0x10]  }
0x21: {  	s1 =	simm.s32 $0x0;
	[dreg:$0x12] =	wrdreg s0  }
.LBB2_7:
0x22: {  	s1 =	rddreg [dreg:$0x13]  }
0x23: {  	s1 =	sadd.s32 $0x1, s1  }
0x24: {  	p0 =	sne.s32 s1, $0x4  }
.Ltmp3:
0x25: {  	_ = 	snop;
	(pc) =	sbr.rel @!p0 .LBB2_8-.Ltmp3, $4  }
0x26: {  	_ = 	snop  }
0x27: {  	s0 =	rddreg [dreg:$0x12]  }
0x28: {  	s0 =	sadd.s32 $0x20000, s0  }
0x29: {  	[dreg:$0x12] =	wrdreg s0  }
.LBB2_2:
0x2a: {  	s0 =	sshll.u32 s1, $0xC;
	s6 =	rddreg [dreg:$0xe]  }
0x2b: {  	[dreg:$0x13] =	wrdreg s1;
	s0 =	sadd.s32 s6, s0  }
0x2c: {  	s7 =	rddreg [dreg:$0x0];
	s0 =	sshrl.u32 s0, $0x3  }
0x2d: {  	s2 =	simm.s32 $0x0;
	s8 =	rddreg [dreg:$0x1];
	s1 =	sadd.s32 s7, s0  }
0x2e: {  	[tilespmem:s2], [sflag:$0x1] =	stream.linear.gather [hbm4b:s1+s2], $0x1000, $0x38;
	[tilespmem:$0x17000] =	vst v63  }
0x2f: {  	s3 =	simm.s32 $0x1000;
	s9 =	rddreg [dreg:$0x2];
	s1 =	sadd.s32 s8, s0  }
0x30: {  	[tilespmem:s3], [sflag:$0x1] =	stream.linear.gather [hbm4b:s1+s2], $0x1000, $0x38;
	[tilespmem:$0x17000] =	vst v63  }
0x31: {  	s10 =	simm.s32 $0x2000;
	s11 =	rddreg [dreg:$0x3];
	s1 =	sadd.s32 s9, s0  }
0x32: {  	[tilespmem:s10], [sflag:$0x1] =	stream.linear.gather [hbm4b:s1+s2], $0x1000, $0x38;
	[tilespmem:$0x17000] =	vst v63  }
0x33: {  	s12 =	simm.s32 $0x3000;
	s13 =	rddreg [dreg:$0x4];
	s1 =	sadd.s32 s11, s0  }
0x34: {  	[tilespmem:s12], [sflag:$0x1] =	stream.linear.gather [hbm4b:s1+s2], $0x1000, $0x38;
	[tilespmem:$0x17000] =	vst v63  }
0x35: {  	s14 =	simm.s32 $0x4000;
	s15 =	rddreg [dreg:$0x5];
	s1 =	sadd.s32 s13, s0  }
0x36: {  	[tilespmem:s14], [sflag:$0x1] =	stream.linear.gather [hbm4b:s1+s2], $0x1000, $0x38;
	[tilespmem:$0x17000] =	vst v63  }
0x37: {  	s16 =	simm.s32 $0x5000;
	s17 =	simm.s32 $0x1;
	s0 =	sadd.s32 s15, s0  }
0x38: {  	[tilespmem:s16], [sflag:$0x1] =	stream.linear.gather [hbm4b:s0+s2], $0x1000, $0x38;
	[tilespmem:$0x17000] =	vst v63  }
0x39: {  	_ =	swait.ge [sflag:s17], $0x1000  }
0x3a: {  	[sflag:s17] =	ssyncset.done $0x0  }
0x3b: {  	[sflag:s17] =	ssyncadd.s32 $0xFFFFF000  }
0x3c: {  	_ =	swait.ge [sflag:s17], $0x1000  }
0x3d: {  	[sflag:s17] =	ssyncset.done $0x0  }
0x3e: {  	[sflag:s17] =	ssyncadd.s32 $0xFFFFF000  }
0x3f: {  	_ =	swait.ge [sflag:s17], $0x1000  }
0x40: {  	[sflag:s17] =	ssyncset.done $0x0  }
0x41: {  	[sflag:s17] =	ssyncadd.s32 $0xFFFFF000  }
0x42: {  	_ =	swait.ge [sflag:s17], $0x1000  }
0x43: {  	[sflag:s17] =	ssyncset.done $0x0  }
0x44: {  	[sflag:s17] =	ssyncadd.s32 $0xFFFFF000  }
0x45: {  	_ =	swait.ge [sflag:s17], $0x1000  }
0x46: {  	[sflag:s17] =	ssyncset.done $0x0  }
0x47: {  	[sflag:s17] =	ssyncadd.s32 $0xFFFFF000  }
0x48: {  	_ =	swait.ge [sflag:s17], $0x1000  }
0x49: {  	[sflag:s17] =	ssyncset.done $0x0  }
0x4a: {  	s11 =	simm.s32 $0x0;
	[sflag:s17] =	ssyncadd.s32 $0xFFFFF000  }
0x4b: {  	v5 =	vld [tilespmem:s11+$0x0];
	_ =	sdelay $0x4  }
0x4c: {  	(v2sf) =	vpush v5, $0x8  }
0x4d: {  	(v2sf) =	vpush v5, $0x2  }
0x4e: {  	(v2sf) =	vpush v5, $0x4  }
0x4f: {  	(v2sf) =	vpush v5, $0xC  }
0x50: {  	(v2sf) =	vpush v5, $0x1  }
0x51: {  	(v2sf) =	vpush v5, $0x0  }
0x52: {  	(v2sf) =	vpush v5, $0x5;
	_ =	sdelay $0x3  }
0x53: {  	(v2sf) =	vpush v5, $0x3;
	_ =	sdelay $0x1  }
0x54: {  	(v2sf) =	vpush v5, $0x6  }
0x55: {  	(v2sf) =	vpush v5, $0x7;
	_ =	sdelay $0x1  }
0x56: {  	s2 =	spop (v2sf)  }
0x57: {  	s18 =	spop (v2sf);
	s22 =	sshra.s32 s2, $0x1F;
	s2 =	smulhi.u32 $0x1B4E81B5, s2  }
0x58: {  	s7 =	spop (v2sf);
	s9 =	smulhi.u32 $0x1B4E81B5, s18;
	s1 =	sshra.s32 s18, $0x1F  }
0x59: {  	s0 =	spop (v2sf);
	s1 =	smul.u32 $0x1B4E81B5, s1  }
0x5a: {  	(v2sf) =	vpush v5, $0x9;
	s19 =	sshra.s32 s7, $0x1F;
	s7 =	smulhi.u32 $0x1B4E81B5, s7;
	s4 =	spop (v2sf)  }
0x5b: {  	s8 =	smul.u32 $0x1B4E81B5, s19;
	s6 =	spop (v2sf)  }
0x5c: {  	(v2sf) =	vpush v5, $0xD;
	s10 =	smulhi.u32 $0x1B4E81B5, s4;
	s20 =	spop (v2sf)  }
0x5d: {  	s15 =	sshra.s32 s6, $0x1F;
	s5 =	smulhi.u32 $0x1B4E81B5, s20  }
0x5e: {  	s26 =	sadd.s32 s1, s9;
	s9 =	smul.u32 $0x1B4E81B5, s15  }
0x5f: {  	(v2sf) =	vpush v5, $0xE;
	s3 =	sshra.s32 s20, $0x1F;
	s15 =	smulhi.u32 $0x1B4E81B5, s0  }
0x60: {  	(v2sf) =	vpush v5, $0xF;
	s12 =	spop (v2sf);
	s3 =	smul.u32 $0x1B4E81B5, s3  }
0x61: {  	s13 =	sshra.s32 s12, $0x1F;
	s12 =	smulhi.u32 $0x1B4E81B5, s12  }
0x62: {  	s0 =	sshra.s32 s0, $0x1F;
	s19 =	spop (v2sf);
	s16 =	smul.u32 $0x1B4E81B5, s13  }
0x63: {  	s14 =	spop (v2sf);
	s13 =	simm.s32 $0x80;
	s17 =	smulhi.u32 $0x1B4E81B5, s19  }
0x64: {  	s18 =	smulhi.u32 $0x1B4E81B5, s14;
	s14 =	sshra.s32 s14, $0x1F;
	s3 =	sadd.s32 s3, s5  }
0x65: {  	s5 =	sshra.s32 s4, $0x1F;
	s23 =	smul.u32 $0x1B4E81B5, s14;
	s4 =	sadd.s32 s16, s12  }
0x66: {  	s1 =	smul.u32 $0x1B4E81B5, s5;
	s12 =	simm.s32 $0x10;
	s16 =	sshra.s32 s4, $0x5  }
0x67: {  	s5 =	sadd.s32 s23, s18;
	s18 =	smulhi.u32 $0x1B4E81B5, s6;
	[dreg:$0xb] =	wrdreg s16  }
0x68: {  	v7 =	vld [tilespmem:s11+$0x1000];
	s16 =	sadd.s32 s1, s10;
	s23 =	sshra.s32 s3, $0x1F;
	s10 =	smul.u32 $0x1B4E81B5, s0  }
0x69: {  	v9 =	vld [tilespmem:s11+$0x2000];
	[dreg:$0xa] =	wrdreg s23;
	s14 =	spop (v2sf);
	s30 =	sadd.s32 s9, s18  }
0x6a: {  	v10 =	vld [tilespmem:s12+$0x1000];
	s18 =	sadd.s32 s8, s7;
	s8 =	sshra.s32 s5, $0x1F;
	s20 =	sshra.s32 s14, $0x1F  }
0x6b: {  	v6 =	vld [tilespmem:s12+$0x0];
	s21 =	spop (v2sf);
	s9 =	sshrl.u32 s30, $0x1F;
	v13 =	vmov s8;
	s8 =	sshra.s32 s16, $0x5  }
0x6c: {  	v11 =	vld [tilespmem:s12+$0x2000];
	s7 =	sshra.s32 s30, $0x1F;
	s24 =	sshra.s32 s21, $0x1F;
	s29 =	smulhi.u32 $0x1B4E81B5, s21  }
0x6d: {  	v12 =	vmov s9;
	s9 =	sshra.s32 s19, $0x1F;
	s19 =	smul.u32 $0x1B4E81B5, s22;
	s22 =	sshrl.u32 s16, $0x1F  }
0x6e: {  	vm10 =	vcmask $0x704;
	(v2sf) =	vpush v5, $0xA;
	s25 =	spop (v2sf);
	s6 =	smul.u32 $0x1B4E81B5, s24;
	s24 =	simm.s32 $0x0  }
0x6f: {  	v8 =	vld [tilespmem:s11+$0x3000];
	v15 =	vshll.u32 v7, $0x4;
	(v2sf) =	vpush v5, $0xB;
	v12 =	vnsel vm4, $0x0, v12;
	s21 =	spop (v2sf);
	s31 =	smulhi.u32 $0x1B4E81B5, s25;
	s28 =	sshra.s32 s25, $0x1F  }
0x70: {  	v7 =	vld [tilespmem:s11+$0x4000];
	v16 =	vshll.u32 v9, $0x3;
	(v2sf) =	vpush v6, $0x8;
	[dreg:$0x9] =	wrdreg s24;
	s24 =	sadd.s32 s19, s2;
	v14 =	vsel vm0, s22, v12;
	s22 =	sshra.s32 s26, $0x5  }
0x71: {  	v9 =	vld [tilespmem:s12+$0x3000];
	v17 =	vshll.u32 v11, $0x3;
	(v2sf) =	vpush v6, $0x2;
	v12 =	vshll.u32 v10, $0x4;
	s19 =	sshra.s32 s26, $0x1F;
	s2 =	sshrl.u32 s18, $0x1F;
	s23 =	sshra.s32 s21, $0x1F  }
0x72: {  	v11 =	vld [tilespmem:s12+$0x4000];
	v10 =	vadd.s32 v15, v16;
	(v2sf) =	vpush v6, $0x4;
	s25 =	sadd.s32 s6, s29;
	s29 =	sshrl.u32 s26, $0x1F;
	v12 =	vadd.s32 v12, v17;
	s26 =	sshrl.u32 s4, $0x1F  }
.LBB2_3:
0x73: {  	s11 =	smul.u32 $0x1B4E81B5, s28;
	s28 =	smov.u32 s13;
	s1 =	rddreg [dreg:$0x9]  }
0x74: {  	s6 =	smov.u32 s12;
	s12 =	sshrl.u32 s25, $0x1F;
	s20 =	smul.u32 $0x1B4E81B5, s20  }
0x75: {  	s30 =	sshra.s32 s30, $0x5;
	s14 =	smulhi.u32 $0x1B4E81B5, s14;
	s4 =	sshra.s32 s4, $0x1F  }
0x76: {  	v14 =	vsel vm1, s29, v14;
	p0 =	sne.s32 s13, $0x3FC0;
	s0 =	sadd.s32 s10, s15;
	s15 =	sshrl.u32 s24, $0x1F  }
0x77: {  	s10 =	smov.u32 s1;
	[dreg:$0x9] =	wrdreg s6;
	v14 =	vsel vm2, s26, v14;
	s26 =	sshra.s32 s25, $0x5  }
0x78: {  	v13 =	vsel vm4, s30, v13;
	s6 =	sshrl.u32 s0, $0x1F;
	s1 =	sadd.s32 s11, s31;
	s11 =	smul.u32 $0x1B4E81B5, s9  }
0x79: {  	(v2sf) =	vpush v6, $0xC;
	s0 =	sshra.s32 s0, $0x5;
	s9 =	sshra.s32 s24, $0x5;
	v13 =	vsel vm10, s7, v13;
	s14 =	sadd.s32 s20, s14  }
0x7a: {  	(v2sf) =	vpush v6, $0x1;
	s20 =	sshra.s32 s5, $0x5;
	v15 =	vmov s6;
	s6 =	sshrl.u32 s3, $0x1F;
	v13 =	vsel vm0, s8, v13;
	s8 =	sshra.s32 s18, $0x5  }
0x7b: {  	(v2sf) =	vpush v6, $0x0;
	v16 =	vmov s0;
	s18 =	sshra.s32 s18, $0x1F;
	s0 =	sshrl.u32 s14, $0x1F;
	s14 =	sshra.s32 s14, $0x5  }
0x7c: {  	v14 =	vsel vm5, s2, v14;
	(v2sf) =	vpush v6, $0x5;
	s11 =	sadd.s32 s11, s17;
	v16 =	vsel vm0, s26, v16;
	s17 =	smul.u32 $0x1B4E81B5, s23;
	s26 =	sshrl.u32 s5, $0x1F  }
0x7d: {  	v14 =	vsel vm6, s6, v14;
	s6 =	smulhi.u32 $0x1B4E81B5, s21;
	s21 =	sshra.s32 s16, $0x1F;
	s25 =	sshrl.u32 s11, $0x1F  }
0x7e: {  	v13 =	vsel vm11, s21, v13;
	s21 =	sshra.s32 s11, $0x5;
	s11 =	sshra.s32 s11, $0x1F;
	s24 =	spop (v2sf);
	(v2sf) =	vpush v6, $0x3  }
0x7f: {  	v15 =	vsel vm0, s12, v15;
	v14 =	vsel vm7, s25, v14;
	s25 =	sshrl.u32 s1, $0x1F;
	s2 =	sshra.s32 s24, $0x1F;
	s12 =	spop (v2sf)  }
0x80: {  	(v2sf) =	vpush v6, $0x6;
	v14 =	vsel vm9, s26, v14;
	s26 =	sshra.s32 s3, $0x5;
	s3 =	sadd.s32 s17, s6;
	s6 =	smulhi.u32 $0x1B4E81B5, s24  }
0x81: {  	s1 =	sshra.s32 s1, $0x5;
	v13 =	vsel vm1, s22, v13;
	s23 =	sshra.s32 s12, $0x1F;
	(v2sf) =	vpush v6, $0x7;
	s16 =	smul.u32 $0x1B4E81B5, s2  }
0x82: {  	s22 =	sadd.s32 $0x40, s13;
	v13 =	vsel vm12, s19, v13;
	(v2sf) =	vpush v6, $0x9;
	s17 =	smul.u32 $0x1B4E81B5, s23;
	s23 =	rddreg [dreg:$0xb]  }
0x83: {  	[dreg:$0xc] =	wrdreg s22;
	s12 =	smulhi.u32 $0x1B4E81B5, s12;
	s22 =	sshra.s32 s3, $0x5;
	v13 =	vsel vm2, s23, v13  }
0x84: {  	s3 =	sshrl.u32 s3, $0x1F;
	(v2sf) =	vpush v6, $0xD;
	s6 =	sadd.s32 s16, s6;
	v13 =	vsel vm13, s4, v13;
	s2 =	spop (v2sf)  }
0x85: {  	v17 =	vmov s15;
	s15 =	sshrl.u32 s6, $0x1F;
	s6 =	sshra.s32 s6, $0x5;
	v13 =	vsel vm5, s8, v13;
	s4 =	spop (v2sf)  }
0x86: {  	v13 =	vsel vm14, s18, v13;
	s7 =	spop (v2sf);
	s23 =	sshra.s32 s4, $0x1F;
	s4 =	smulhi.u32 $0x1B4E81B5, s4  }
0x87: {  	v15 =	vsel vm1, s25, v15;
	(v2sf) =	vpush v6, $0xE;
	s12 =	sadd.s32 s17, s12;
	v13 =	vsel vm6, s26, v13;
	s26 =	rddreg [dreg:$0xa];
	s25 =	smul.u32 $0x1B4E81B5, s23  }
0x88: {  	(v2sf) =	vpush v6, $0xF;
	s24 =	sshra.s32 s7, $0x1F;
	s8 =	spop (v2sf);
	s7 =	smulhi.u32 $0x1B4E81B5, s7  }
0x89: {  	v18 =	vmov s9;
	v16 =	vsel vm1, s1, v16;
	s19 =	sshra.s32 s2, $0x1F;
	s18 =	smul.u32 $0x1B4E81B5, s24;
	s5 =	spop (v2sf)  }
0x8a: {  	v18 =	vsel vm0, s14, v18;
	v16 =	vsel vm2, s22, v16;
	v13 =	vsel vm15, s26, v13;
	s26 =	sshrl.u32 s12, $0x1F;
	s16 =	spop (v2sf);
	s22 =	smulhi.u32 $0x1B4E81B5, s5  }
0x8b: {  	v18 =	vsel vm1, s6, v18;
	s12 =	sshra.s32 s12, $0x5;
	v13 =	vsel vm7, s21, v13;
	s21 =	spop (v2sf);
	s6 =	smulhi.u32 $0x1B4E81B5, s16  }
0x8c: {  	s13 =	sshra.s32 s8, $0x1F;
	v13 =	vsel vm3, s11, v13;
	s11 =	smulhi.u32 $0x1B4E81B5, s21;
	s1 =	sshra.s32 s21, $0x1F  }
0x8d: {  	v17 =	vsel vm0, s0, v17;
	s21 =	sshra.s32 s16, $0x1F;
	s1 =	smul.u32 $0x1B4E81B5, s1;
	s17 =	spop (v2sf)  }
0x8e: {  	v17 =	vsel vm1, s15, v17;
	s24 =	sadd.s32 s25, s4;
	s29 =	smul.u32 $0x1B4E81B5, s21;
	s0 =	sshra.s32 s17, $0x1F  }
0x8f: {  	v15 =	vsel vm2, s3, v15;
	v17 =	vsel vm2, s26, v17;
	v61 =	vsel vm2, s12, v18;
	s30 =	sshra.s32 s5, $0x1F;
	s9 =	spop (v2sf);
	s15 =	smul.u32 $0x1B4E81B5, s0  }
0x90: {  	v15 =	vcombine.low v17, v15;
	v16 =	vcombine.low v61, v16;
	v13 =	vsel vm9, s20, v13;
	s18 =	sadd.s32 s18, s7;
	s26 =	spop (v2sf);
	s0 =	smulhi.u32 $0x1B4E81B5, s17  }
0x91: {  	v14 =	vperm.xlane v14, v1;
	v13 =	vperm.xlane v13, v1;
	s3 =	sadd.s32 s1, s11;
	s17 =	smulhi.u32 $0x1B4E81B5, s9;
	s14 =	spop (v2sf)  }
0x92: {  	v15 =	vperm.xlane v15, v0;
	v16 =	vperm.xlane v16, v0;
	s1 =	smulhi.u32 $0x1B4E81B5, s26;
	s12 =	sshra.s32 s26, $0x1F;
	s4 =	sadd.s32 s15, s0  }
0x93: {  	v62 =	vld [tilespmem:s10+$0x5000];
	s23 =	spop (v2sf);
	s11 =	smul.u32 $0x1B4E81B5, s12;
	s15 =	sshra.s32 s4, $0x5  }
0x94: {  	v19 =	vshll.u32 v7, $0x1;
	v7 =	vmovc v11;
	v14 =	vsel vm8, v14, v15;
	v11 =	vsel vm8, v13, v16;
	s9 =	sshra.s32 s9, $0x1F;
	[dreg:$0xb] =	wrdreg s15;
	s15 =	smulhi.u32 $0x1B4E81B5, s8  }
0x95: {  	v63 =	vshll.u32 v8, $0x2;
	v11 =	vadd.s32 v14, v11;
	s20 =	sshra.s32 s14, $0x1F;
	s5 =	sadd.s32 s11, s1;
	s1 =	smulhi.u32 $0x1B4E81B5, s23  }
0x96: {  	v8 =	vmov v9;
	v9 =	vadd.s32 v63, v10;
	v11 =	vmul.u32 $0x12C, v11;
	s12 =	sshra.s32 s28, $0x2;
	s26 =	spop (v2sf);
	s11 =	smul.u32 $0x1B4E81B5, s30  }
0x97: {  	v10 =	vmov v12;
	v9 =	vadd.s32 v19, v9;
	s25 =	sshra.s32 s23, $0x1F;
	v12 =	vld [tilespmem:s12+$0x1000];
	s21 =	spop (v2sf);
	(v2sf) =	vpush v6, $0xA;
	s31 =	smulhi.u32 $0x1B4E81B5, s26  }
0x98: {  	v9 =	vadd.s32 v62, v9;
	v11 =	vsub.s32 v5, v11;
	v5 =	vmovc v6;
	s23 =	sshra.s32 s3, $0x1F;
	s28 =	sshra.s32 s26, $0x1F;
	s25 =	smul.u32 $0x1B4E81B5, s25;
	(v2sf) =	vpush v6, $0xB;
	v6 =	vld [tilespmem:s12+$0x0]  }
0x99: {  	v9 =	vmul.u32 $0x12C, v9;
	v14 =	vld [tilespmem:s12+$0x2000];
	s30 =	sadd.s32 s29, s6;
	s29 =	sshrl.u32 s24, $0x1F;
	s6 =	smul.u32 $0x1B4E81B5, s19  }
0x9a: {  	s19 =	sshra.s32 s24, $0x1F;
	[dreg:$0xa] =	wrdreg s23;
	s23 =	sshra.s32 s21, $0x1F  }
.Ltmp4:
0x9b: {  	v11 =	vadd.s32 v11, v9;
	s0 =	sshra.s32 s5, $0x1F;
	s26 =	sshrl.u32 s30, $0x1F;
	(pc) =	sbr.rel @p0 .LBB2_3-.Ltmp4, $4  }
0x9c: {  	v9 =	vld [tilespmem:s12+$0x3000];
	[tilespmem:s10+$0x6000] =	vst v11;
	s10 =	smul.u32 $0x1B4E81B5, s13;
	s7 =	sshra.s32 s30, $0x1F;
	s13 =	rddreg [dreg:$0xc];
	v15 =	vmov s26  }
0x9d: {  	v13 =	vmov s0;
	s16 =	sadd.s32 s11, s22;
	s0 =	smulhi.u32 $0x1B4E81B5, s2;
	s22 =	sshra.s32 s24, $0x5;
	v15 =	vnsel vm4, $0x0, v15;
	(v2sf) =	vpush v6, $0x8  }
0x9e: {  	s26 =	sshrl.u32 s4, $0x1F;
	s2 =	sshrl.u32 s18, $0x1F;
	s11 =	sshrl.u32 s16, $0x1F;
	v12 =	vshll.u32 v12, $0x4;
	v14 =	vshll.u32 v14, $0x3;
	(v2sf) =	vpush v6, $0x2  }
0x9f: {  	v11 =	vld [tilespmem:s12+$0x4000];
	s25 =	sadd.s32 s25, s1;
	s8 =	sshra.s32 s16, $0x5;
	s24 =	sadd.s32 s6, s0;
	v12 =	vadd.s32 v12, v14;
	v14 =	vsel vm0, s11, v15;
	(v2sf) =	vpush v6, $0x4  }
0xa0: {  	_ = 	snop  }
0xa1: {  	(v2sf) =	vpush v6, $0xC;
	s0 =	smul.u32 $0x1B4E81B5, s9  }
0xa2: {  	s9 =	smul.u32 $0x1B4E81B5, s20  }
0xa3: {  	s11 =	smul.u32 $0x1B4E81B5, s23;
	(v2sf) =	vpush v6, $0x1;
	[smem:$0x7F1] =	sst s0  }
0xa4: {  	s20 =	smulhi.u32 $0x1B4E81B5, s21;
	(v2sf) =	vpush v6, $0x0;
	[smem:$0x7F4] =	sst s9  }
0xa5: {  	s6 =	smulhi.u32 $0x1B4E81B5, s14;
	[smem:$0x7F2] =	sst s11;
	(v2sf) =	vpush v6, $0x5  }
0xa6: {  	[smem:$0x7F3] =	sst s20;
	(v2sf) =	vpush v6, $0x3;
	s9 =	spop (v2sf)  }
0xa7: {  	[smem:$0x7F5] =	sst s6;
	s21 =	sshra.s32 s9, $0x1F  }
0xa8: {  	s1 =	spop (v2sf);
	s23 =	smul.u32 $0x1B4E81B5, s21  }
0xa9: {  	s10 =	sadd.s32 s10, s15;
	s15 =	sld [smem:$0x7F1];
	s20 =	smulhi.u32 $0x1B4E81B5, s1  }
0xaa: {  	(v2sf) =	vpush v6, $0x6;
	[smem:$0x7F6] =	sst s23  }
0xab: {  	(v2sf) =	vpush v6, $0x7;
	s14 =	sshra.s32 s1, $0x1F;
	s1 =	smulhi.u32 $0x1B4E81B5, s9;
	[smem:$0x7F8] =	sst s20  }
0xac: {  	s23 =	smul.u32 $0x1B4E81B5, s14;
	s11 =	spop (v2sf)  }
0xad: {  	[smem:$0x7F7] =	sst s1;
	s21 =	spop (v2sf)  }
0xae: {  	[dreg:$0x1e] =	wrdreg s11;
	s11 =	spop (v2sf)  }
0xaf: {  	s13 =	smul.u32 $0x1B4E81B5, s28;
	[smem:$0x7F9] =	sst s23;
	s6 =	sshra.s32 s11, $0x1F  }
0xb0: {  	s1 =	spop (v2sf);
	s0 =	smul.u32 $0x1B4E81B5, s6  }
0xb1: {  	[dreg:$0x16] =	wrdreg s1;
	s6 =	smulhi.u32 $0x1B4E81B5, s21  }
0xb2: {  	s1 =	spop (v2sf);
	[dreg:$0x1f] =	wrdreg s0  }
0xb3: {  	s9 =	sshra.s32 s21, $0x1F;
	[smem:$0x7FA] =	sst s6;
	s6 =	spop (v2sf)  }
0xb4: {  	s17 =	sadd.s32 s15, s17;
	s0 =	smul.u32 $0x1B4E81B5, s9;
	s14 =	spop (v2sf)  }
0xb5: {  	s21 =	smulhi.u32 $0x1B4E81B5, s14;
	s20 =	sshra.s32 s14, $0x1F;
	s23 =	spop (v2sf)  }
0xb6: {  	s15 =	sld [smem:$0x7F3];
	s28 =	smul.u32 $0x1B4E81B5, s20;
	s14 =	sshra.s32 s23, $0x1F  }
0xb7: {  	[smem:$0x7FB] =	sst s0;
	s20 =	smul.u32 $0x1B4E81B5, s14  }
0xb8: {  	[smem:$0x7FC] =	sst s21  }
0xb9: {  	s21 =	spop (v2sf);
	[smem:$0x7FD] =	sst s20  }
0xba: {  	(v2sf) =	vpush v6, $0x9;
	s9 =	sshra.s32 s6, $0x1F;
	s20 =	smulhi.u32 $0x1B4E81B5, s23;
	s23 =	spop (v2sf)  }
0xbb: {  	[dreg:$0x14] =	wrdreg s21;
	s21 =	smulhi.u32 $0x1B4E81B5, s23;
	s0 =	sshra.s32 s23, $0x1F  }
0xbc: {  	s23 =	sadd.s32 s13, s31;
	s31 =	smul.u32 $0x1B4E81B5, s9;
	s9 =	sld [smem:$0x7F2]  }
0xbd: {  	s13 =	smulhi.u32 $0x1B4E81B5, s1  }
0xbe: {  	s14 =	smul.u32 $0x1B4E81B5, s0  }
0xbf: {  	s0 =	sshra.s32 s1, $0x1F;
	s1 =	sadd.s32 s9, s15;
	s9 =	sld [smem:$0x7F4]  }
0xc0: {  	s15 =	sld [smem:$0x7F5];
	_ =	sdelay $0x1  }
0xc1: {  	[dreg:$0x18] =	wrdreg s1  }
0xc2: {  	s1 =	sadd.s32 s9, s15;
	s15 =	sld [smem:$0x7F7]  }
0xc3: {  	[dreg:$0x1a] =	wrdreg s1  }
0xc4: {  	s1 =	sld [smem:$0x7F6];
	_ =	sdelay $0x1  }
0xc5: {  	s9 =	smul.u32 $0x1B4E81B5, s0  }
0xc6: {  	s0 =	sadd.s32 s1, s15;
	s15 =	smulhi.u32 $0x1B4E81B5, s6  }
0xc7: {  	s6 =	spop (v2sf);
	s1 =	sld [smem:$0x7F8]  }
0xc8: {  	(v2sf) =	vpush v6, $0xD;
	[dreg:$0x17] =	wrdreg s6  }
0xc9: {  	s6 =	sld [smem:$0x7F9];
	_ =	sdelay $0x1  }
0xca: {  	[dreg:$0x1c] =	wrdreg s0  }
0xcb: {  	s0 =	sadd.s32 s6, s1;
	s1 =	sld [smem:$0x7FA]  }
0xcc: {  	s6 =	smulhi.u32 $0x1B4E81B5, s11;
	s11 =	sld [smem:$0x7FB]  }
0xcd: {  	_ =	sdelay $0x1  }
0xce: {  	s11 =	sadd.s32 s11, s1;
	s1 =	sld [smem:$0x7FC];
	_ =	sdelay $0x2  }
0xcf: {  	s14 =	sadd.s32 s14, s21;
	s28 =	sadd.s32 s28, s1;
	s1 =	sld [smem:$0x7FD]  }
0xd0: {  	v14 =	vsel vm1, s29, v14;
	[dreg:$0x19] =	wrdreg s14  }
0xd1: {  	s4 =	sshra.s32 s4, $0x1F;
	v14 =	vsel vm2, s26, v14;
	(v2sf) =	vpush v6, $0xE;
	[dreg:$0x1b] =	wrdreg s0  }
0xd2: {  	v14 =	vsel vm5, s2, v14;
	s2 =	sshra.s32 s17, $0x1F;
	[dreg:$0x15] =	wrdreg s28;
	s1 =	sadd.s32 s1, s20  }
0xd3: {  	s9 =	sadd.s32 s9, s13;
	s0 =	spop (v2sf);
	[dreg:$0x1d] =	wrdreg s1  }
0xd4: {  	s28 =	smulhi.u32 $0x1B4E81B5, s0;
	s1 =	sshra.s32 s0, $0x1F;
	s0 =	rddreg [dreg:$0x1e]  }
0xd5: {  	s13 =	sshrl.u32 s24, $0x1F;
	s26 =	rddreg [dreg:$0x1c];
	s20 =	smulhi.u32 $0x1B4E81B5, s0  }
0xd6: {  	s21 =	sshra.s32 s0, $0x1F;
	s0 =	smul.u32 $0x1B4E81B5, s1;
	s1 =	sshra.s32 s30, $0x5  }
0xd7: {  	s30 =	sadd.s32 s31, s15;
	s15 =	rddreg [dreg:$0x1f];
	s21 =	smul.u32 $0x1B4E81B5, s21  }
0xd8: {  	v13 =	vsel vm4, s1, v13;
	s14 =	sadd.s32 s15, s6;
	s1 =	sshra.s32 s10, $0x5;
	s15 =	sshra.s32 s23, $0x5  }
0xd9: {  	(v2sf) =	vpush v6, $0xF;
	s6 =	sadd.s32 s0, s28;
	v13 =	vsel vm10, s7, v13;
	s0 =	sshrl.u32 s10, $0x1F;
	s10 =	sshra.s32 s25, $0x5  }
0xda: {  	v16 =	vmov s1;
	s1 =	sshra.s32 s17, $0x5;
	s7 =	sadd.s32 s21, s20;
	v13 =	vsel vm0, s8, v13;
	s8 =	sshrl.u32 s25, $0x1F  }
0xdb: {  	s21 =	sshra.s32 s16, $0x1F;
	s16 =	sshra.s32 s24, $0x5;
	s20 =	sshra.s32 s18, $0x5  }
0xdc: {  	s18 =	sshra.s32 s18, $0x1F;
	v15 =	vmov s0;
	s24 =	sshrl.u32 s5, $0x1F;
	s5 =	sshra.s32 s5, $0x5;
	v13 =	vsel vm11, s21, v13  }
0xdd: {  	s25 =	sshrl.u32 s17, $0x1F;
	s21 =	sshrl.u32 s23, $0x1F;
	s23 =	rddreg [dreg:$0xb];
	v15 =	vsel vm0, s8, v15;
	v13 =	vsel vm1, s22, v13  }
0xde: {  	v16 =	vsel vm0, s10, v16;
	s10 =	sshra.s32 s26, $0x5;
	s22 =	sshrl.u32 s3, $0x1F;
	v15 =	vsel vm1, s21, v15;
	s21 =	rddreg [dreg:$0x17];
	v13 =	vsel vm12, s19, v13  }
0xdf: {  	v16 =	vsel vm1, s15, v16;
	s15 =	sshra.s32 s30, $0x5;
	s3 =	sshra.s32 s3, $0x5;
	v14 =	vsel vm6, s22, v14;
	v13 =	vsel vm2, s23, v13;
	s23 =	rddreg [dreg:$0x1a]  }
0xe0: {  	v14 =	vsel vm7, s25, v14;
	s25 =	spop (v2sf);
	v13 =	vsel vm13, s4, v13;
	s4 =	sshrl.u32 s26, $0x1F;
	s26 =	rddreg [dreg:$0x16]  }
0xe1: {  	s8 =	sshrl.u32 s23, $0x1F;
	v14 =	vsel vm9, s24, v14;
	s0 =	sshra.s32 s23, $0x5;
	s24 =	rddreg [dreg:$0xa]  }
0xe2: {  	s22 =	smulhi.u32 $0x1B4E81B5, s25;
	v13 =	vsel vm5, s20, v13;
	s20 =	rddreg [dreg:$0x1b];
	s23 =	sshra.s32 s26, $0x1F  }
0xe3: {  	v17 =	vmov s13;
	(v2sf) =	vpush v6, $0xA;
	s17 =	sshrl.u32 s20, $0x1F;
	s19 =	sshra.s32 s20, $0x5;
	s20 =	smulhi.u32 $0x1B4E81B5, s26  }
0xe4: {  	v18 =	vmov s16;
	s25 =	sshra.s32 s25, $0x1F;
	v17 =	vsel vm0, s8, v17;
	v13 =	vsel vm14, s18, v13;
	s26 =	smul.u32 $0x1B4E81B5, s23;
	s18 =	rddreg [dreg:$0x18]  }
0xe5: {  	v18 =	vsel vm0, s0, v18;
	v17 =	vsel vm1, s4, v17;
	v13 =	vsel vm6, s3, v13;
	s23 =	sshra.s32 s18, $0x5;
	s16 =	sshrl.u32 s18, $0x1F;
	s18 =	rddreg [dreg:$0x1d]  }
0xe6: {  	v18 =	vsel vm1, s10, v18;
	s10 =	sshrl.u32 s14, $0x1F;
	s3 =	sshra.s32 s21, $0x1F;
	v17 =	vsel vm2, s17, v17;
	s17 =	rddreg [dreg:$0x15];
	v13 =	vsel vm15, s24, v13  }
0xe7: {  	s24 =	smul.u32 $0x1B4E81B5, s25;
	s8 =	sadd.s32 s26, s20;
	s20 =	rddreg [dreg:$0x19];
	v13 =	vsel vm7, s1, v13  }
0xe8: {  	v18 =	vsel vm2, s19, v18;
	s19 =	sshra.s32 s14, $0x5;
	s26 =	rddreg [dreg:$0x14];
	v13 =	vsel vm3, s2, v13;
	s2 =	spop (v2sf);
	(v2sf) =	vpush v6, $0xB  }
0xe9: {  	v8 =	vshll.u32 v8, $0x2;
	v16 =	vsel vm2, s23, v16;
	s13 =	sshra.s32 s18, $0x5;
	s23 =	sshra.s32 s30, $0x1F;
	s3 =	smul.u32 $0x1B4E81B5, s3  }
0xea: {  	v7 =	vshll.u32 v7, $0x1;
	v8 =	vadd.s32 v8, v10;
	v15 =	vsel vm2, s16, v15;
	s16 =	sshrl.u32 s9, $0x1F;
	s25 =	sshra.s32 s20, $0x1F;
	s4 =	smulhi.u32 $0x1B4E81B5, s26  }
0xeb: {  	v7 =	vadd.s32 v7, v8;
	v19 =	vmov s25;
	s1 =	sadd.s32 s24, s22;
	s22 =	sshrl.u32 s30, $0x1F;
	s25 =	sshra.s32 s26, $0x1F  }
0xec: {  	v14 =	vperm.xlane v14, v1;
	v15 =	vcombine.low v17, v15;
	s26 =	sshra.s32 s9, $0x5;
	s9 =	sshra.s32 s9, $0x1F;
	s24 =	sshrl.u32 s18, $0x1F;
	v19 =	vsel vm4, s15, v19  }
0xed: {  	v13 =	vsel vm9, s5, v13;
	v20 =	vmov s22;
	s5 =	sshra.s32 s17, $0x1F;
	s0 =	smul.u32 $0x1B4E81B5, s25;
	s22 =	sshrl.u32 s11, $0x1F;
	v19 =	vsel vm10, s23, v19  }
0xee: {  	v16 =	vcombine.low v18, v16;
	s25 =	sshrl.u32 s8, $0x1F;
	s8 =	sshra.s32 s8, $0x5;
	s15 =	sshrl.u32 s17, $0x1F;
	v15 =	vperm.xlane v15, v0;
	v19 =	vsel vm0, s26, v19  }
0xef: {  	v20 =	vnsel vm4, $0x0, v20;
	s23 =	sshra.s32 s11, $0x5;
	s11 =	sshra.s32 s11, $0x1F;
	v21 =	vmov s25;
	s25 =	sshra.s32 s17, $0x5;
	v19 =	vsel vm11, s9, v19  }
0xf0: {  	v16 =	vperm.xlane v16, v0;
	v20 =	vsel vm0, s16, v20;
	s0 =	sadd.s32 s0, s4;
	s26 =	sshra.s32 s2, $0x1F;
	s16 =	sshra.s32 s18, $0x1F;
	v19 =	vsel vm1, s23, v19  }
0xf1: {  	v22 =	vmov s8;
	s2 =	smulhi.u32 $0x1B4E81B5, s2;
	v20 =	vsel vm1, s22, v20;
	s18 =	sshrl.u32 s0, $0x1F;
	s22 =	sshrl.u32 s20, $0x1F;
	v19 =	vsel vm12, s11, v19  }
0xf2: {  	v13 =	vperm.xlane v13, v1;
	s4 =	smul.u32 $0x1B4E81B5, s26;
	s26 =	spop (v2sf);
	v20 =	vsel vm2, s24, v20;
	s23 =	sshra.s32 s14, $0x1F;
	v19 =	vsel vm2, s13, v19  }
0xf3: {  	v14 =	vsel vm8, v14, v15;
	s24 =	sshrl.u32 s7, $0x1F;
	s14 =	sshra.s32 s0, $0x5;
	s7 =	sshra.s32 s7, $0x5;
	v20 =	vsel vm5, s10, v20;
	v19 =	vsel vm13, s16, v19  }
0xf4: {  	v13 =	vsel vm8, v13, v16;
	s11 =	sshra.s32 s6, $0x5;
	s6 =	sshrl.u32 s6, $0x1F;
	v20 =	vsel vm6, s15, v20;
	s15 =	rddreg [dreg:$0x9];
	v19 =	vsel vm5, s19, v19  }
0xf5: {  	v56 =	vadd.s32 v14, v13;
	s10 =	smulhi.u32 $0x1B4E81B5, s21;
	s2 =	sadd.s32 s4, s2;
	v22 =	vsel vm0, s11, v22;
	s11 =	sshra.s32 s1, $0x5;
	v53 =	vld [tilespmem:s15+$0x5000];
	v19 =	vsel vm14, s23, v19  }
0xf6: {  	v50 =	vmov s24;
	v21 =	vsel vm0, s6, v21;
	s13 =	sshra.s32 s26, $0x1F;
	s1 =	sshrl.u32 s1, $0x1F;
	s6 =	smulhi.u32 $0x1B4E81B5, s26;
	v19 =	vsel vm6, s25, v19  }
0xf7: {  	v54 =	vmov s7;
	v8 =	vmul.u32 $0x12C, v56;
	s26 =	sshrl.u32 s2, $0x1F;
	v51 =	vsel vm15, s5, v19;
	s5 =	smul.u32 $0x1B4E81B5, s13;
	s16 =	spop (v2sf)  }
0xf8: {  	v20 =	vsel vm7, s18, v20;
	v52 =	vsel vm1, s11, v22;
	s3 =	sadd.s32 s3, s10;
	v21 =	vsel vm1, s1, v21;
	s17 =	sshra.s32 s16, $0x1F;
	s1 =	smulhi.u32 $0x1B4E81B5, s16  }
0xf9: {  	v5 =	vsub.s32 v5, v8;
	v20 =	vsel vm9, s22, v20;
	s19 =	sshrl.u32 s3, $0x1F;
	s22 =	sshra.s32 s2, $0x5;
	v59 =	vsel vm2, s26, v21;
	s18 =	smul.u32 $0x1B4E81B5, s17  }
0xfa: {  	s0 =	sshra.s32 s0, $0x1F;
	s3 =	sshra.s32 s3, $0x5;
	v57 =	vsel vm0, s19, v50;
	v58 =	vsel vm2, s22, v52;
	v7 =	vadd.s32 v53, v7;
	s5 =	sadd.s32 s5, s6  }
0xfb: {  	v10 =	vsel vm0, s3, v54;
	v18 =	vsel vm7, s14, v51;
	v7 =	vmul.u32 $0x12C, v7;
	s21 =	sshrl.u32 s5, $0x1F;
	s23 =	sshra.s32 s5, $0x5;
	s1 =	sadd.s32 s18, s1  }
0xfc: {  	v55 =	vsel vm3, s0, v18;
	v13 =	vsel vm1, s21, v57;
	v10 =	vsel vm1, s23, v10;
	s24 =	sshrl.u32 s1, $0x1F;
	s25 =	sshra.s32 s1, $0x5  }
0xfd: {  	v5 =	vadd.s32 v5, v7;
	s1 =	sshra.s32 s20, $0x5;
	v13 =	vsel vm2, s24, v13;
	v10 =	vsel vm2, s25, v10  }
0xfe: {  	[tilespmem:s15+$0x6000] =	vst v5;
	v5 =	vsel vm9, s1, v55;
	v7 =	vcombine.low v13, v59;
	v60 =	vcombine.low v10, v58  }
0xff: {  	v61 =	vperm.xlane v20, v1;
	v62 =	vld [tilespmem:s12+$0x5000];
	v5 =	vperm.xlane v5, v1  }
0x100: {  	v9 =	vshll.u32 v9, $0x2;
	v7 =	vperm.xlane v7, v0;
	v8 =	vperm.xlane v60, v0  }
0x101: {  	v9 =	vadd.s32 v9, v12  }
0x102: {  	v11 =	vshll.u32 v11, $0x1;
	v7 =	vsel vm8, v61, v7;
	v5 =	vsel vm8, v5, v8  }
0x103: {  	v63 =	vadd.s32 v11, v9;
	v5 =	vadd.s32 v7, v5  }
0x104: {  	v7 =	vadd.s32 v62, v63;
	v5 =	vmul.u32 $0x12C, v5  }
0x105: {  	v7 =	vmul.u32 $0x12C, v7  }
0x106: {  	s2 =	rddreg [dreg:$0x13];
	v5 =	vsub.s32 v6, v5  }
0x107: {  	p0 =	seq.s32 s2, $0x0;
	v5 =	vadd.s32 v5, v7  }
0x108: {  	s0 =	simm.s32 @!p0 $0x6;
	[tilespmem:s12+$0x6000] =	vst v5  }
0x109: {  	_ =	swait.ge @!p0 [sflag:s0], $0x4000  }
0x10a: {  	[sflag:s0] =	ssyncset.done @!p0 $0x0  }
0x10b: {  	[sflag:s0] =	ssyncadd.s32 @!p0 $0xFFFFC000;
	s0 =	simm.s32 @!p0 $0x7  }
0x10c: {  	_ =	swait.ge @!p0 [sflag:s0], $0x4000  }
0x10d: {  	[sflag:s0] =	ssyncset.done @!p0 $0x0  }
0x10e: {  	[sflag:s0] =	ssyncadd.s32 @!p0 $0xFFFFC000;
	s0 =	simm.s32 @!p0 $0x8  }
0x10f: {  	_ =	swait.ge @!p0 [sflag:s0], $0x4000  }
0x110: {  	[sflag:s0] =	ssyncset.done @!p0 $0x0  }
0x111: {  	[sflag:s0] =	ssyncadd.s32 @!p0 $0xFFFFC000;
	s0 =	simm.s32 @!p0 $0x9  }
0x112: {  	_ =	swait.ge @!p0 [sflag:s0], $0x4000  }
0x113: {  	[sflag:s0] =	ssyncset.done @!p0 $0x0  }
0x114: {  	[sflag:s0] =	ssyncadd.s32 @!p0 $0xFFFFC000  }
0x115: {  	v5 =	vld [tilespmem:$0x6000];
	_ =	sdelay $0x4  }
0x116: {  	v6 =	vshll.u32 v5, $0x1  }
0x117: {  	v5 =	vand.u32 $0x7, v5;
	v6 =	vand.u32 $0xFFFFFFF0, v6  }
0x118: {  	v5 =	vor.u32 v5, v6  }
0x119: {  	v6 =	vperm.xlane v5, v2  }
0x11a: {  	v7 =	vld [tilespmem:$0x1FFF0]  }
0x11b: {  	v5 =	vperm.xlane v5, v4;
	v6 =	vadd.s32 v3, v6;
	_ =	sdelay $0x1  }
0x11c: {  	v5 =	vadd.s32 v3, v5;
	_ =	sdelay $0x1  }
0x11d: {  	s4 =	simm.s32 $0x7000;
	s11 =	simm.s32 $0x0;
	s7 =	rddreg [dreg:$0xd];
	vm10 =	vnez.u8 v7  }
0x11e: {  	[tilespmem:s4], [sflag:$0x2] =	stream.indirect_vreg.gather [hbm4b:s7+s11], $0x80, v6, vm10, $0xb8;
	[tilespmem:$0x17000] =	vst v63  }
0x11f: {  	s5 =	simm.s32 $0x7800  }
0x120: {  	[tilespmem:s5], [sflag:$0x2] =	stream.indirect_vreg.gather [hbm4b:s7+s11], $0x80, v5, vm10, $0xb8;
	[tilespmem:$0x17000] =	vst v63  }
0x121: {  	v5 =	vld [tilespmem:$0x6010];
	_ =	sdelay $0x4  }
0x122: {  	v6 =	vshll.u32 v5, $0x1  }
0x123: {  	v5 =	vand.u32 $0x7, v5;
	v6 =	vand.u32 $0xFFFFFFF0, v6  }
0x124: {  	v5 =	vor.u32 v5, v6  }
0x125: {  	v6 =	vperm.xlane v5, v2;
	_ =	sdelay $0x1  }
0x126: {  	v5 =	vperm.xlane v5, v4;
	v6 =	vadd.s32 v3, v6;
	_ =	sdelay $0x1  }
0x127: {  	v5 =	vadd.s32 v3, v5;
	_ =	sdelay $0x1  }
0x128: {  	s6 =	simm.s32 $0x8000  }
0x129: {  	[tilespmem:s6], [sflag:$0x2] =	stream.indirect_vreg.gather [hbm4b:s7+s11], $0x80, v6, vm10, $0xb8;
	[tilespmem:$0x17000] =	vst v63  }
0x12a: {  	s8 =	simm.s32 $0x8800  }
0x12b: {  	[tilespmem:s8], [sflag:$0x2] =	stream.indirect_vreg.gather [hbm4b:s7+s11], $0x80, v5, vm10, $0xb8;
	[tilespmem:$0x17000] =	vst v63  }
0x12c: {  	v5 =	vld [tilespmem:$0x6020];
	_ =	sdelay $0x4  }
0x12d: {  	v6 =	vshll.u32 v5, $0x1  }
0x12e: {  	v5 =	vand.u32 $0x7, v5;
	v6 =	vand.u32 $0xFFFFFFF0, v6  }
0x12f: {  	v5 =	vor.u32 v5, v6  }
0x130: {  	v6 =	vperm.xlane v5, v2;
	_ =	sdelay $0x1  }
0x131: {  	v5 =	vperm.xlane v5, v4;
	v6 =	vadd.s32 v3, v6;
	_ =	sdelay $0x1  }
0x132: {  	v5 =	vadd.s32 v3, v5;
	_ =	sdelay $0x1  }
0x133: {  	s9 =	simm.s32 $0x9000  }
0x134: {  	[tilespmem:s9], [sflag:$0x2] =	stream.indirect_vreg.gather [hbm4b:s7+s11], $0x80, v6, vm10, $0xb8;
	[tilespmem:$0x17000] =	vst v63  }
0x135: {  	s10 =	simm.s32 $0x9800  }
0x136: {  	[tilespmem:s10], [sflag:$0x2] =	stream.indirect_vreg.gather [hbm4b:s7+s11], $0x80, v5, vm10, $0xb8;
	[tilespmem:$0x17000] =	vst v63  }
0x137: {  	v5 =	vld [tilespmem:$0x6030];
	_ =	sdelay $0x4  }
0x138: {  	v6 =	vshll.u32 v5, $0x1  }
0x139: {  	v5 =	vand.u32 $0x7, v5;
	v6 =	vand.u32 $0xFFFFFFF0, v6  }
0x13a: {  	v5 =	vor.u32 v5, v6  }
0x13b: {  	v6 =	vperm.xlane v5, v2;
	_ =	sdelay $0x1  }
0x13c: {  	v5 =	vperm.xlane v5, v4;
	v6 =	vadd.s32 v3, v6;
	_ =	sdelay $0x1  }
0x13d: {  	v5 =	vadd.s32 v3, v5;
	_ =	sdelay $0x1  }
0x13e: {  	s12 =	simm.s32 $0xA000  }
0x13f: {  	[tilespmem:s12], [sflag:$0x2] =	stream.indirect_vreg.gather [hbm4b:s7+s11], $0x80, v6, vm10, $0xb8;
	[tilespmem:$0x17000] =	vst v63  }
0x140: {  	s13 =	simm.s32 $0xA800  }
0x141: {  	[tilespmem:s13], [sflag:$0x2] =	stream.indirect_vreg.gather [hbm4b:s7+s11], $0x80, v5, vm10, $0xb8;
	[tilespmem:$0x17000] =	vst v63  }
0x142: {  	v5 =	vld [tilespmem:$0x6040];
	_ =	sdelay $0x4  }
0x143: {  	v6 =	vshll.u32 v5, $0x1  }
0x144: {  	v5 =	vand.u32 $0x7, v5;
	v6 =	vand.u32 $0xFFFFFFF0, v6  }
0x145: {  	v5 =	vor.u32 v5, v6  }
0x146: {  	v6 =	vperm.xlane v5, v2;
	_ =	sdelay $0x1  }
0x147: {  	v5 =	vperm.xlane v5, v4;
	v6 =	vadd.s32 v3, v6;
	_ =	sdelay $0x1  }
0x148: {  	v5 =	vadd.s32 v3, v5;
	_ =	sdelay $0x1  }
0x149: {  	s14 =	simm.s32 $0xB000  }
0x14a: {  	[tilespmem:s14], [sflag:$0x3] =	stream.indirect_vreg.gather [hbm4b:s7+s11], $0x80, v6, vm10, $0xb8;
	[tilespmem:$0x17000] =	vst v63  }
0x14b: {  	s15 =	simm.s32 $0xB800  }
0x14c: {  	[tilespmem:s15], [sflag:$0x3] =	stream.indirect_vreg.gather [hbm4b:s7+s11], $0x80, v5, vm10, $0xb8;
	[tilespmem:$0x17000] =	vst v63  }
0x14d: {  	v5 =	vld [tilespmem:$0x6050];
	_ =	sdelay $0x4  }
0x14e: {  	v6 =	vshll.u32 v5, $0x1  }
0x14f: {  	v5 =	vand.u32 $0x7, v5;
	v6 =	vand.u32 $0xFFFFFFF0, v6  }
0x150: {  	v5 =	vor.u32 v5, v6  }
0x151: {  	v6 =	vperm.xlane v5, v2;
	_ =	sdelay $0x1  }
0x152: {  	v5 =	vperm.xlane v5, v4;
	v6 =	vadd.s32 v3, v6;
	_ =	sdelay $0x1  }
0x153: {  	v5 =	vadd.s32 v3, v5;
	_ =	sdelay $0x1  }
0x154: {  	s16 =	simm.s32 $0xC000  }
0x155: {  	[tilespmem:s16], [sflag:$0x3] =	stream.indirect_vreg.gather [hbm4b:s7+s11], $0x80, v6, vm10, $0xb8;
	[tilespmem:$0x17000] =	vst v63  }
0x156: {  	s17 =	simm.s32 $0xC800  }
0x157: {  	[tilespmem:s17], [sflag:$0x3] =	stream.indirect_vreg.gather [hbm4b:s7+s11], $0x80, v5, vm10, $0xb8;
	[tilespmem:$0x17000] =	vst v63  }
0x158: {  	v5 =	vld [tilespmem:$0x6060];
	_ =	sdelay $0x4  }
0x159: {  	v6 =	vshll.u32 v5, $0x1  }
0x15a: {  	v5 =	vand.u32 $0x7, v5;
	v6 =	vand.u32 $0xFFFFFFF0, v6  }
0x15b: {  	v5 =	vor.u32 v5, v6  }
0x15c: {  	v6 =	vperm.xlane v5, v2;
	_ =	sdelay $0x1  }
0x15d: {  	v5 =	vperm.xlane v5, v4;
	v6 =	vadd.s32 v3, v6;
	_ =	sdelay $0x1  }
0x15e: {  	v5 =	vadd.s32 v3, v5;
	_ =	sdelay $0x1  }
0x15f: {  	s18 =	simm.s32 $0xD000  }
0x160: {  	[tilespmem:s18], [sflag:$0x3] =	stream.indirect_vreg.gather [hbm4b:s7+s11], $0x80, v6, vm10, $0xb8;
	[tilespmem:$0x17000] =	vst v63  }
0x161: {  	s19 =	simm.s32 $0xD800  }
0x162: {  	[tilespmem:s19], [sflag:$0x3] =	stream.indirect_vreg.gather [hbm4b:s7+s11], $0x80, v5, vm10, $0xb8;
	[tilespmem:$0x17000] =	vst v63  }
0x163: {  	v5 =	vld [tilespmem:$0x6070];
	_ =	sdelay $0x4  }
0x164: {  	v6 =	vshll.u32 v5, $0x1  }
0x165: {  	v5 =	vand.u32 $0x7, v5;
	v6 =	vand.u32 $0xFFFFFFF0, v6  }
0x166: {  	v5 =	vor.u32 v5, v6  }
0x167: {  	v6 =	vperm.xlane v5, v2;
	_ =	sdelay $0x1  }
0x168: {  	v5 =	vperm.xlane v5, v4;
	v6 =	vadd.s32 v3, v6;
	_ =	sdelay $0x1  }
0x169: {  	v5 =	vadd.s32 v3, v5;
	_ =	sdelay $0x1  }
0x16a: {  	s20 =	simm.s32 $0xE000  }
0x16b: {  	[tilespmem:s20], [sflag:$0x3] =	stream.indirect_vreg.gather [hbm4b:s7+s11], $0x80, v6, vm10, $0xb8;
	[tilespmem:$0x17000] =	vst v63  }
0x16c: {  	s21 =	simm.s32 $0xE800  }
0x16d: {  	[tilespmem:s21], [sflag:$0x3] =	stream.indirect_vreg.gather [hbm4b:s7+s11], $0x80, v5, vm10, $0xb8;
	[tilespmem:$0x17000] =	vst v63  }
0x16e: {  	v5 =	vld [tilespmem:$0x6080];
	_ =	sdelay $0x4  }
0x16f: {  	v6 =	vshll.u32 v5, $0x1  }
0x170: {  	v5 =	vand.u32 $0x7, v5;
	v6 =	vand.u32 $0xFFFFFFF0, v6  }
0x171: {  	v5 =	vor.u32 v5, v6  }
0x172: {  	v6 =	vperm.xlane v5, v2;
	_ =	sdelay $0x1  }
0x173: {  	v5 =	vperm.xlane v5, v4;
	v6 =	vadd.s32 v3, v6;
	_ =	sdelay $0x1  }
0x174: {  	v5 =	vadd.s32 v3, v5;
	_ =	sdelay $0x1  }
0x175: {  	s22 =	simm.s32 $0xF000  }
0x176: {  	[tilespmem:s22], [sflag:$0x4] =	stream.indirect_vreg.gather [hbm4b:s7+s11], $0x80, v6, vm10, $0xb8;
	[tilespmem:$0x17000] =	vst v63  }
0x177: {  	s23 =	simm.s32 $0xF800  }
0x178: {  	[tilespmem:s23], [sflag:$0x4] =	stream.indirect_vreg.gather [hbm4b:s7+s11], $0x80, v5, vm10, $0xb8;
	[tilespmem:$0x17000] =	vst v63  }
0x179: {  	v5 =	vld [tilespmem:$0x6090];
	_ =	sdelay $0x4  }
0x17a: {  	v6 =	vshll.u32 v5, $0x1  }
0x17b: {  	v5 =	vand.u32 $0x7, v5;
	v6 =	vand.u32 $0xFFFFFFF0, v6  }
0x17c: {  	v5 =	vor.u32 v5, v6  }
0x17d: {  	v6 =	vperm.xlane v5, v2;
	_ =	sdelay $0x1  }
0x17e: {  	v5 =	vperm.xlane v5, v4;
	v6 =	vadd.s32 v3, v6;
	_ =	sdelay $0x1  }
0x17f: {  	v5 =	vadd.s32 v3, v5;
	_ =	sdelay $0x1  }
0x180: {  	s24 =	simm.s32 $0x10000  }
0x181: {  	[tilespmem:s24], [sflag:$0x4] =	stream.indirect_vreg.gather [hbm4b:s7+s11], $0x80, v6, vm10, $0xb8;
	[tilespmem:$0x17000] =	vst v63  }
0x182: {  	s25 =	simm.s32 $0x10800  }
0x183: {  	[tilespmem:s25], [sflag:$0x4] =	stream.indirect_vreg.gather [hbm4b:s7+s11], $0x80, v5, vm10, $0xb8;
	[tilespmem:$0x17000] =	vst v63  }
0x184: {  	v5 =	vld [tilespmem:$0x60A0];
	_ =	sdelay $0x4  }
0x185: {  	v6 =	vshll.u32 v5, $0x1  }
0x186: {  	v5 =	vand.u32 $0x7, v5;
	v6 =	vand.u32 $0xFFFFFFF0, v6  }
0x187: {  	v5 =	vor.u32 v5, v6  }
0x188: {  	v6 =	vperm.xlane v5, v2;
	_ =	sdelay $0x1  }
0x189: {  	v5 =	vperm.xlane v5, v4;
	v6 =	vadd.s32 v3, v6;
	_ =	sdelay $0x1  }
0x18a: {  	v5 =	vadd.s32 v3, v5;
	_ =	sdelay $0x1  }
0x18b: {  	s26 =	simm.s32 $0x11000  }
0x18c: {  	[tilespmem:s26], [sflag:$0x4] =	stream.indirect_vreg.gather [hbm4b:s7+s11], $0x80, v6, vm10, $0xb8;
	[tilespmem:$0x17000] =	vst v63  }
0x18d: {  	s28 =	simm.s32 $0x11800  }
0x18e: {  	[tilespmem:s28], [sflag:$0x4] =	stream.indirect_vreg.gather [hbm4b:s7+s11], $0x80, v5, vm10, $0xb8;
	[tilespmem:$0x17000] =	vst v63  }
0x18f: {  	v5 =	vld [tilespmem:$0x60B0];
	_ =	sdelay $0x4  }
0x190: {  	v6 =	vshll.u32 v5, $0x1  }
0x191: {  	v5 =	vand.u32 $0x7, v5;
	v6 =	vand.u32 $0xFFFFFFF0, v6  }
0x192: {  	v5 =	vor.u32 v5, v6  }
0x193: {  	v6 =	vperm.xlane v5, v2;
	_ =	sdelay $0x1  }
0x194: {  	v5 =	vperm.xlane v5, v4;
	v6 =	vadd.s32 v3, v6;
	_ =	sdelay $0x1  }
0x195: {  	v5 =	vadd.s32 v3, v5;
	_ =	sdelay $0x1  }
0x196: {  	s29 =	simm.s32 $0x12000  }
0x197: {  	[tilespmem:s29], [sflag:$0x4] =	stream.indirect_vreg.gather [hbm4b:s7+s11], $0x80, v6, vm10, $0xb8;
	[tilespmem:$0x17000] =	vst v63  }
0x198: {  	s30 =	simm.s32 $0x12800  }
0x199: {  	[tilespmem:s30], [sflag:$0x4] =	stream.indirect_vreg.gather [hbm4b:s7+s11], $0x80, v5, vm10, $0xb8;
	[tilespmem:$0x17000] =	vst v63  }
0x19a: {  	v5 =	vld [tilespmem:$0x60C0];
	_ =	sdelay $0x4  }
0x19b: {  	v6 =	vshll.u32 v5, $0x1  }
0x19c: {  	v5 =	vand.u32 $0x7, v5;
	v6 =	vand.u32 $0xFFFFFFF0, v6  }
0x19d: {  	v5 =	vor.u32 v5, v6  }
0x19e: {  	v6 =	vperm.xlane v5, v2;
	_ =	sdelay $0x1  }
0x19f: {  	v5 =	vperm.xlane v5, v4;
	v6 =	vadd.s32 v3, v6;
	_ =	sdelay $0x1  }
0x1a0: {  	v5 =	vadd.s32 v3, v5;
	_ =	sdelay $0x1  }
0x1a1: {  	s31 =	simm.s32 $0x13000  }
0x1a2: {  	[tilespmem:s31], [sflag:$0x5] =	stream.indirect_vreg.gather [hbm4b:s7+s11], $0x80, v6, vm10, $0xb8;
	[tilespmem:$0x17000] =	vst v63  }
0x1a3: {  	s3 =	simm.s32 $0x13800  }
0x1a4: {  	[tilespmem:s3], [sflag:$0x5] =	stream.indirect_vreg.gather [hbm4b:s7+s11], $0x80, v5, vm10, $0xb8;
	[tilespmem:$0x17000] =	vst v63  }
0x1a5: {  	v5 =	vld [tilespmem:$0x60D0];
	_ =	sdelay $0x4  }
0x1a6: {  	v6 =	vshll.u32 v5, $0x1  }
0x1a7: {  	v5 =	vand.u32 $0x7, v5;
	v6 =	vand.u32 $0xFFFFFFF0, v6  }
0x1a8: {  	v5 =	vor.u32 v5, v6  }
0x1a9: {  	v6 =	vperm.xlane v5, v2;
	_ =	sdelay $0x1  }
0x1aa: {  	v5 =	vperm.xlane v5, v4;
	v6 =	vadd.s32 v3, v6;
	_ =	sdelay $0x1  }
0x1ab: {  	v5 =	vadd.s32 v3, v5;
	_ =	sdelay $0x1  }
0x1ac: {  	s1 =	simm.s32 $0x14000  }
0x1ad: {  	[tilespmem:s1], [sflag:$0x5] =	stream.indirect_vreg.gather [hbm4b:s7+s11], $0x80, v6, vm10, $0xb8;
	[tilespmem:$0x17000] =	vst v63  }
0x1ae: {  	s2 =	simm.s32 $0x14800  }
0x1af: {  	[tilespmem:s2], [sflag:$0x5] =	stream.indirect_vreg.gather [hbm4b:s7+s11], $0x80, v5, vm10, $0xb8;
	[tilespmem:$0x17000] =	vst v63  }
0x1b0: {  	v5 =	vld [tilespmem:$0x60E0];
	_ =	sdelay $0x4  }
0x1b1: {  	v6 =	vshll.u32 v5, $0x1  }
0x1b2: {  	v5 =	vand.u32 $0x7, v5;
	v6 =	vand.u32 $0xFFFFFFF0, v6  }
0x1b3: {  	v5 =	vor.u32 v5, v6  }
0x1b4: {  	v6 =	vperm.xlane v5, v2;
	_ =	sdelay $0x1  }
0x1b5: {  	v5 =	vperm.xlane v5, v4;
	v6 =	vadd.s32 v3, v6;
	_ =	sdelay $0x1  }
0x1b6: {  	v5 =	vadd.s32 v3, v5;
	_ =	sdelay $0x1  }
0x1b7: {  	s3 =	simm.s32 $0x15000  }
0x1b8: {  	[tilespmem:s3], [sflag:$0x5] =	stream.indirect_vreg.gather [hbm4b:s7+s11], $0x80, v6, vm10, $0xb8;
	[tilespmem:$0x17000] =	vst v63  }
0x1b9: {  	s1 =	simm.s32 $0x15800  }
0x1ba: {  	[tilespmem:s1], [sflag:$0x5] =	stream.indirect_vreg.gather [hbm4b:s7+s11], $0x80, v5, vm10, $0xb8;
	[tilespmem:$0x17000] =	vst v63  }
0x1bb: {  	v5 =	vld [tilespmem:$0x60F0];
	_ =	sdelay $0x4  }
0x1bc: {  	v6 =	vshll.u32 v5, $0x1  }
0x1bd: {  	v5 =	vand.u32 $0x7, v5;
	v6 =	vand.u32 $0xFFFFFFF0, v6  }
0x1be: {  	v5 =	vor.u32 v5, v6  }
0x1bf: {  	v6 =	vperm.xlane v5, v2;
	_ =	sdelay $0x1  }
0x1c0: {  	v5 =	vperm.xlane v5, v4;
	v6 =	vadd.s32 v3, v6;
	_ =	sdelay $0x1  }
0x1c1: {  	v5 =	vadd.s32 v3, v5;
	_ =	sdelay $0x1  }
0x1c2: {  	s2 =	simm.s32 $0x16000  }
0x1c3: {  	[tilespmem:s2], [sflag:$0x5] =	stream.indirect_vreg.gather [hbm4b:s7+s11], $0x80, v6, vm10, $0xb8;
	[tilespmem:$0x17000] =	vst v63  }
0x1c4: {  	s3 =	simm.s32 $0x16800  }
0x1c5: {  	[tilespmem:s3], [sflag:$0x5] =	stream.indirect_vreg.gather [hbm4b:s7+s11], $0x80, v5, vm10, $0xb8;
	[tilespmem:$0x17000] =	vst v63  }
0x1c6: {  	s1 =	simm.s32 $0x61F0;
	s3 =	simm.s32 $0x0  }
.LBB2_5:
0x1c7: {  	s0 =	simm.s32 $0x2  }
0x1c8: {  	_ =	swait.ge [sflag:s0], $0x4000  }
0x1c9: {  	[sflag:s0] =	ssyncset.done $0x0;
	s2 =	rddreg [dreg:$0x12]  }
0x1ca: {  	[sflag:s0] =	ssyncadd.s32 $0xFFFFC000;
	s0 =	sadd.s32 s11, s2;
	s2 =	simm.s32 $0x3  }
0x1cb: {  	[hbm4b:s0+s3] =	stream.linear.scatter [tilespmem:s4], [sflag:$0x6], $0x4000, $0x38;
	[tilespmem:$0x17000] =	vst v63  }
0x1cc: {  	_ =	swait.ge [sflag:s2], $0x4000  }
0x1cd: {  	[sflag:s2] =	ssyncset.done $0x0  }
0x1ce: {  	[sflag:s2] =	ssyncadd.s32 $0xFFFFC000;
	s2 =	sadd.s32 $0x800, s0  }
0x1cf: {  	[hbm4b:s2+s3] =	stream.linear.scatter [tilespmem:s14], [sflag:$0x7], $0x4000, $0x38;
	[tilespmem:$0x17000] =	vst v63  }
0x1d0: {  	s2 =	simm.s32 $0x4  }
0x1d1: {  	_ =	swait.ge [sflag:s2], $0x4000  }
0x1d2: {  	[sflag:s2] =	ssyncset.done $0x0  }
0x1d3: {  	p0 =	seq.s32 s11, $0x1E000;
	[sflag:s2] =	ssyncadd.s32 $0xFFFFC000;
	s2 =	sadd.s32 $0x1000, s0  }
0x1d4: {  	[hbm4b:s2+s3] =	stream.linear.scatter [tilespmem:s22], [sflag:$0x8], $0x4000, $0x38;
	[tilespmem:$0x17000] =	vst v63  }
.Ltmp5:
0x1d5: {  	s2 =	simm.s32 $0x5;
	(pc) =	sbr.rel @p0 .LBB2_7-.Ltmp5, $4  }
0x1d6: {  	_ =	swait.ge [sflag:s2], $0x4000  }
0x1d7: {  	[sflag:s2] =	ssyncset.done $0x0  }
0x1d8: {  	s0 =	sadd.s32 $0x1800, s0;
	[sflag:s2] =	ssyncadd.s32 $0xFFFFC000  }
0x1d9: {  	[hbm4b:s0+s3] =	stream.linear.scatter [tilespmem:s31], [sflag:$0x9], $0x4000, $0x38;
	[tilespmem:$0x17000] =	vst v63  }
0x1da: {  	s0 =	simm.s32 $0x6  }
0x1db: {  	_ =	swait.ge [sflag:s0], $0x4000  }
0x1dc: {  	[sflag:s0] =	ssyncset.done $0x0  }
0x1dd: {  	[sflag:s0] =	ssyncadd.s32 $0xFFFFC000  }
0x1de: {  	v5 =	vld [tilespmem:s1+$0xFFFFFF10];
	_ =	sdelay $0x4  }
0x1df: {  	v6 =	vshll.u32 v5, $0x1  }
0x1e0: {  	v5 =	vand.u32 $0x7, v5;
	v6 =	vand.u32 $0xFFFFFFF0, v6  }
0x1e1: {  	v5 =	vor.u32 v5, v6  }
0x1e2: {  	v6 =	vperm.xlane v5, v2;
	_ =	sdelay $0x1  }
0x1e3: {  	v5 =	vperm.xlane v5, v4;
	v6 =	vadd.s32 v3, v6;
	_ =	sdelay $0x1  }
0x1e4: {  	v5 =	vadd.s32 v3, v5;
	_ =	sdelay $0x2  }
0x1e5: {  	[tilespmem:s4], [sflag:$0x2] =	stream.indirect_vreg.gather [hbm4b:s7+s3], $0x80, v6, vm10, $0xb8;
	[tilespmem:$0x17000] =	vst v63  }
0x1e6: {  	_ = 	snop  }
0x1e7: {  	[tilespmem:s5], [sflag:$0x2] =	stream.indirect_vreg.gather [hbm4b:s7+s3], $0x80, v5, vm10, $0xb8;
	[tilespmem:$0x17000] =	vst v63  }
0x1e8: {  	v5 =	vld [tilespmem:s1+$0xFFFFFF20];
	_ =	sdelay $0x4  }
0x1e9: {  	v6 =	vshll.u32 v5, $0x1  }
0x1ea: {  	v5 =	vand.u32 $0x7, v5;
	v6 =	vand.u32 $0xFFFFFFF0, v6  }
0x1eb: {  	v5 =	vor.u32 v5, v6  }
0x1ec: {  	v6 =	vperm.xlane v5, v2;
	_ =	sdelay $0x1  }
0x1ed: {  	v5 =	vperm.xlane v5, v4;
	v6 =	vadd.s32 v3, v6;
	_ =	sdelay $0x1  }
0x1ee: {  	v5 =	vadd.s32 v3, v5;
	_ =	sdelay $0x2  }
0x1ef: {  	[tilespmem:s6], [sflag:$0x2] =	stream.indirect_vreg.gather [hbm4b:s7+s3], $0x80, v6, vm10, $0xb8;
	[tilespmem:$0x17000] =	vst v63  }
0x1f0: {  	_ = 	snop  }
0x1f1: {  	[tilespmem:s8], [sflag:$0x2] =	stream.indirect_vreg.gather [hbm4b:s7+s3], $0x80, v5, vm10, $0xb8;
	[tilespmem:$0x17000] =	vst v63  }
0x1f2: {  	v5 =	vld [tilespmem:s1+$0xFFFFFF30];
	_ =	sdelay $0x4  }
0x1f3: {  	v6 =	vshll.u32 v5, $0x1  }
0x1f4: {  	v5 =	vand.u32 $0x7, v5;
	v6 =	vand.u32 $0xFFFFFFF0, v6  }
0x1f5: {  	v5 =	vor.u32 v5, v6  }
0x1f6: {  	v6 =	vperm.xlane v5, v2;
	_ =	sdelay $0x1  }
0x1f7: {  	v5 =	vperm.xlane v5, v4;
	v6 =	vadd.s32 v3, v6;
	_ =	sdelay $0x1  }
0x1f8: {  	v5 =	vadd.s32 v3, v5;
	_ =	sdelay $0x2  }
0x1f9: {  	[tilespmem:s9], [sflag:$0x2] =	stream.indirect_vreg.gather [hbm4b:s7+s3], $0x80, v6, vm10, $0xb8;
	[tilespmem:$0x17000] =	vst v63  }
0x1fa: {  	_ = 	snop  }
0x1fb: {  	[tilespmem:s10], [sflag:$0x2] =	stream.indirect_vreg.gather [hbm4b:s7+s3], $0x80, v5, vm10, $0xb8;
	[tilespmem:$0x17000] =	vst v63  }
0x1fc: {  	v5 =	vld [tilespmem:s1+$0xFFFFFF40];
	_ =	sdelay $0x4  }
0x1fd: {  	v6 =	vshll.u32 v5, $0x1  }
0x1fe: {  	v5 =	vand.u32 $0x7, v5;
	v6 =	vand.u32 $0xFFFFFFF0, v6  }
0x1ff: {  	v5 =	vor.u32 v5, v6  }
0x200: {  	v6 =	vperm.xlane v5, v2;
	_ =	sdelay $0x1  }
0x201: {  	v5 =	vperm.xlane v5, v4;
	v6 =	vadd.s32 v3, v6;
	_ =	sdelay $0x1  }
0x202: {  	v5 =	vadd.s32 v3, v5;
	_ =	sdelay $0x2  }
0x203: {  	[tilespmem:s12], [sflag:$0x2] =	stream.indirect_vreg.gather [hbm4b:s7+s3], $0x80, v6, vm10, $0xb8;
	[tilespmem:$0x17000] =	vst v63  }
0x204: {  	s2 =	simm.s32 $0x7  }
0x205: {  	[tilespmem:s13], [sflag:$0x2] =	stream.indirect_vreg.gather [hbm4b:s7+s3], $0x80, v5, vm10, $0xb8;
	[tilespmem:$0x17000] =	vst v63  }
0x206: {  	_ =	swait.ge [sflag:s2], $0x4000  }
0x207: {  	[sflag:s2] =	ssyncset.done $0x0  }
0x208: {  	[sflag:s2] =	ssyncadd.s32 $0xFFFFC000  }
0x209: {  	v5 =	vld [tilespmem:s1+$0xFFFFFF50];
	_ =	sdelay $0x4  }
0x20a: {  	v6 =	vshll.u32 v5, $0x1  }
0x20b: {  	v5 =	vand.u32 $0x7, v5;
	v6 =	vand.u32 $0xFFFFFFF0, v6  }
0x20c: {  	v5 =	vor.u32 v5, v6  }
0x20d: {  	v6 =	vperm.xlane v5, v2;
	_ =	sdelay $0x1  }
0x20e: {  	v5 =	vperm.xlane v5, v4;
	v6 =	vadd.s32 v3, v6;
	_ =	sdelay $0x1  }
0x20f: {  	v5 =	vadd.s32 v3, v5;
	_ =	sdelay $0x2  }
0x210: {  	[tilespmem:s14], [sflag:$0x3] =	stream.indirect_vreg.gather [hbm4b:s7+s3], $0x80, v6, vm10, $0xb8;
	[tilespmem:$0x17000] =	vst v63  }
0x211: {  	_ = 	snop  }
0x212: {  	[tilespmem:s15], [sflag:$0x3] =	stream.indirect_vreg.gather [hbm4b:s7+s3], $0x80, v5, vm10, $0xb8;
	[tilespmem:$0x17000] =	vst v63  }
0x213: {  	v5 =	vld [tilespmem:s1+$0xFFFFFF60];
	_ =	sdelay $0x4  }
0x214: {  	v6 =	vshll.u32 v5, $0x1  }
0x215: {  	v5 =	vand.u32 $0x7, v5;
	v6 =	vand.u32 $0xFFFFFFF0, v6  }
0x216: {  	v5 =	vor.u32 v5, v6  }
0x217: {  	v6 =	vperm.xlane v5, v2;
	_ =	sdelay $0x1  }
0x218: {  	v5 =	vperm.xlane v5, v4;
	v6 =	vadd.s32 v3, v6;
	_ =	sdelay $0x1  }
0x219: {  	v5 =	vadd.s32 v3, v5;
	_ =	sdelay $0x2  }
0x21a: {  	[tilespmem:s16], [sflag:$0x3] =	stream.indirect_vreg.gather [hbm4b:s7+s3], $0x80, v6, vm10, $0xb8;
	[tilespmem:$0x17000] =	vst v63  }
0x21b: {  	_ = 	snop  }
0x21c: {  	[tilespmem:s17], [sflag:$0x3] =	stream.indirect_vreg.gather [hbm4b:s7+s3], $0x80, v5, vm10, $0xb8;
	[tilespmem:$0x17000] =	vst v63  }
0x21d: {  	v5 =	vld [tilespmem:s1+$0xFFFFFF70];
	_ =	sdelay $0x4  }
0x21e: {  	v6 =	vshll.u32 v5, $0x1  }
0x21f: {  	v5 =	vand.u32 $0x7, v5;
	v6 =	vand.u32 $0xFFFFFFF0, v6  }
0x220: {  	v5 =	vor.u32 v5, v6  }
0x221: {  	v6 =	vperm.xlane v5, v2;
	_ =	sdelay $0x1  }
0x222: {  	v5 =	vperm.xlane v5, v4;
	v6 =	vadd.s32 v3, v6;
	_ =	sdelay $0x1  }
0x223: {  	v5 =	vadd.s32 v3, v5;
	_ =	sdelay $0x2  }
0x224: {  	[tilespmem:s18], [sflag:$0x3] =	stream.indirect_vreg.gather [hbm4b:s7+s3], $0x80, v6, vm10, $0xb8;
	[tilespmem:$0x17000] =	vst v63  }
0x225: {  	_ = 	snop  }
0x226: {  	[tilespmem:s19], [sflag:$0x3] =	stream.indirect_vreg.gather [hbm4b:s7+s3], $0x80, v5, vm10, $0xb8;
	[tilespmem:$0x17000] =	vst v63  }
0x227: {  	v5 =	vld [tilespmem:s1+$0xFFFFFF80];
	_ =	sdelay $0x4  }
0x228: {  	v6 =	vshll.u32 v5, $0x1  }
0x229: {  	v5 =	vand.u32 $0x7, v5;
	v6 =	vand.u32 $0xFFFFFFF0, v6  }
0x22a: {  	v5 =	vor.u32 v5, v6  }
0x22b: {  	v6 =	vperm.xlane v5, v2;
	_ =	sdelay $0x1  }
0x22c: {  	v5 =	vperm.xlane v5, v4;
	v6 =	vadd.s32 v3, v6;
	_ =	sdelay $0x1  }
0x22d: {  	v5 =	vadd.s32 v3, v5;
	_ =	sdelay $0x2  }
0x22e: {  	[tilespmem:s20], [sflag:$0x3] =	stream.indirect_vreg.gather [hbm4b:s7+s3], $0x80, v6, vm10, $0xb8;
	[tilespmem:$0x17000] =	vst v63  }
0x22f: {  	s2 =	simm.s32 $0x8  }
0x230: {  	[tilespmem:s21], [sflag:$0x3] =	stream.indirect_vreg.gather [hbm4b:s7+s3], $0x80, v5, vm10, $0xb8;
	[tilespmem:$0x17000] =	vst v63  }
0x231: {  	_ =	swait.ge [sflag:s2], $0x4000  }
0x232: {  	[sflag:s2] =	ssyncset.done $0x0  }
0x233: {  	[sflag:s2] =	ssyncadd.s32 $0xFFFFC000  }
0x234: {  	v5 =	vld [tilespmem:s1+$0xFFFFFF90];
	_ =	sdelay $0x4  }
0x235: {  	v6 =	vshll.u32 v5, $0x1  }
0x236: {  	v5 =	vand.u32 $0x7, v5;
	v6 =	vand.u32 $0xFFFFFFF0, v6  }
0x237: {  	v5 =	vor.u32 v5, v6  }
0x238: {  	v6 =	vperm.xlane v5, v2;
	_ =	sdelay $0x1  }
0x239: {  	v5 =	vperm.xlane v5, v4;
	v6 =	vadd.s32 v3, v6;
	_ =	sdelay $0x1  }
0x23a: {  	v5 =	vadd.s32 v3, v5;
	_ =	sdelay $0x2  }
0x23b: {  	[tilespmem:s22], [sflag:$0x4] =	stream.indirect_vreg.gather [hbm4b:s7+s3], $0x80, v6, vm10, $0xb8;
	[tilespmem:$0x17000] =	vst v63  }
0x23c: {  	_ = 	snop  }
0x23d: {  	[tilespmem:s23], [sflag:$0x4] =	stream.indirect_vreg.gather [hbm4b:s7+s3], $0x80, v5, vm10, $0xb8;
	[tilespmem:$0x17000] =	vst v63  }
0x23e: {  	v5 =	vld [tilespmem:s1+$0xFFFFFFA0];
	_ =	sdelay $0x4  }
0x23f: {  	v6 =	vshll.u32 v5, $0x1  }
0x240: {  	v5 =	vand.u32 $0x7, v5;
	v6 =	vand.u32 $0xFFFFFFF0, v6  }
0x241: {  	v5 =	vor.u32 v5, v6  }
0x242: {  	v6 =	vperm.xlane v5, v2;
	_ =	sdelay $0x1  }
0x243: {  	v5 =	vperm.xlane v5, v4;
	v6 =	vadd.s32 v3, v6;
	_ =	sdelay $0x1  }
0x244: {  	v5 =	vadd.s32 v3, v5;
	_ =	sdelay $0x2  }
0x245: {  	[tilespmem:s24], [sflag:$0x4] =	stream.indirect_vreg.gather [hbm4b:s7+s3], $0x80, v6, vm10, $0xb8;
	[tilespmem:$0x17000] =	vst v63  }
0x246: {  	_ = 	snop  }
0x247: {  	[tilespmem:s25], [sflag:$0x4] =	stream.indirect_vreg.gather [hbm4b:s7+s3], $0x80, v5, vm10, $0xb8;
	[tilespmem:$0x17000] =	vst v63  }
0x248: {  	v5 =	vld [tilespmem:s1+$0xFFFFFFB0];
	_ =	sdelay $0x4  }
0x249: {  	v6 =	vshll.u32 v5, $0x1  }
0x24a: {  	v5 =	vand.u32 $0x7, v5;
	v6 =	vand.u32 $0xFFFFFFF0, v6  }
0x24b: {  	v5 =	vor.u32 v5, v6  }
0x24c: {  	v6 =	vperm.xlane v5, v2;
	_ =	sdelay $0x1  }
0x24d: {  	v5 =	vperm.xlane v5, v4;
	v6 =	vadd.s32 v3, v6;
	_ =	sdelay $0x1  }
0x24e: {  	v5 =	vadd.s32 v3, v5;
	_ =	sdelay $0x2  }
0x24f: {  	[tilespmem:s26], [sflag:$0x4] =	stream.indirect_vreg.gather [hbm4b:s7+s3], $0x80, v6, vm10, $0xb8;
	[tilespmem:$0x17000] =	vst v63  }
0x250: {  	_ = 	snop  }
0x251: {  	[tilespmem:s28], [sflag:$0x4] =	stream.indirect_vreg.gather [hbm4b:s7+s3], $0x80, v5, vm10, $0xb8;
	[tilespmem:$0x17000] =	vst v63  }
0x252: {  	v5 =	vld [tilespmem:s1+$0xFFFFFFC0];
	_ =	sdelay $0x4  }
0x253: {  	v6 =	vshll.u32 v5, $0x1  }
0x254: {  	v5 =	vand.u32 $0x7, v5;
	v6 =	vand.u32 $0xFFFFFFF0, v6  }
0x255: {  	v5 =	vor.u32 v5, v6  }
0x256: {  	v6 =	vperm.xlane v5, v2;
	_ =	sdelay $0x1  }
0x257: {  	v5 =	vperm.xlane v5, v4;
	v6 =	vadd.s32 v3, v6;
	_ =	sdelay $0x1  }
0x258: {  	v5 =	vadd.s32 v3, v5;
	_ =	sdelay $0x2  }
0x259: {  	[tilespmem:s29], [sflag:$0x4] =	stream.indirect_vreg.gather [hbm4b:s7+s3], $0x80, v6, vm10, $0xb8;
	[tilespmem:$0x17000] =	vst v63  }
0x25a: {  	s2 =	simm.s32 $0x9  }
0x25b: {  	[tilespmem:s30], [sflag:$0x4] =	stream.indirect_vreg.gather [hbm4b:s7+s3], $0x80, v5, vm10, $0xb8;
	[tilespmem:$0x17000] =	vst v63  }
0x25c: {  	_ =	swait.ge [sflag:s2], $0x4000  }
0x25d: {  	[sflag:s2] =	ssyncset.done $0x0  }
0x25e: {  	[sflag:s2] =	ssyncadd.s32 $0xFFFFC000  }
0x25f: {  	v5 =	vld [tilespmem:s1+$0xFFFFFFD0];
	_ =	sdelay $0x4  }
0x260: {  	v6 =	vshll.u32 v5, $0x1  }
0x261: {  	v5 =	vand.u32 $0x7, v5;
	v6 =	vand.u32 $0xFFFFFFF0, v6  }
0x262: {  	v5 =	vor.u32 v5, v6  }
0x263: {  	v6 =	vperm.xlane v5, v2;
	_ =	sdelay $0x1  }
0x264: {  	v5 =	vperm.xlane v5, v4;
	v6 =	vadd.s32 v3, v6;
	_ =	sdelay $0x1  }
0x265: {  	v5 =	vadd.s32 v3, v5;
	_ =	sdelay $0x2  }
0x266: {  	[tilespmem:s31], [sflag:$0x5] =	stream.indirect_vreg.gather [hbm4b:s7+s3], $0x80, v6, vm10, $0xb8;
	[tilespmem:$0x17000] =	vst v63  }
0x267: {  	s2 =	simm.s32 $0x13800  }
0x268: {  	[tilespmem:s2], [sflag:$0x5] =	stream.indirect_vreg.gather [hbm4b:s7+s3], $0x80, v5, vm10, $0xb8;
	[tilespmem:$0x17000] =	vst v63  }
0x269: {  	v5 =	vld [tilespmem:s1+$0xFFFFFFE0];
	_ =	sdelay $0x4  }
0x26a: {  	v6 =	vshll.u32 v5, $0x1  }
0x26b: {  	v5 =	vand.u32 $0x7, v5;
	v6 =	vand.u32 $0xFFFFFFF0, v6  }
0x26c: {  	v5 =	vor.u32 v5, v6  }
0x26d: {  	v6 =	vperm.xlane v5, v2;
	_ =	sdelay $0x1  }
0x26e: {  	v5 =	vperm.xlane v5, v4;
	v6 =	vadd.s32 v3, v6;
	_ =	sdelay $0x1  }
0x26f: {  	v5 =	vadd.s32 v3, v5;
	_ =	sdelay $0x1  }
0x270: {  	s2 =	simm.s32 $0x14000  }
0x271: {  	[tilespmem:s2], [sflag:$0x5] =	stream.indirect_vreg.gather [hbm4b:s7+s3], $0x80, v6, vm10, $0xb8;
	[tilespmem:$0x17000] =	vst v63  }
0x272: {  	s2 =	simm.s32 $0x14800  }
0x273: {  	[tilespmem:s2], [sflag:$0x5] =	stream.indirect_vreg.gather [hbm4b:s7+s3], $0x80, v5, vm10, $0xb8;
	[tilespmem:$0x17000] =	vst v63  }
0x274: {  	v5 =	vld [tilespmem:s1+$0xFFFFFFF0];
	_ =	sdelay $0x4  }
0x275: {  	v6 =	vshll.u32 v5, $0x1  }
0x276: {  	v5 =	vand.u32 $0x7, v5;
	v6 =	vand.u32 $0xFFFFFFF0, v6  }
0x277: {  	v5 =	vor.u32 v5, v6  }
0x278: {  	v6 =	vperm.xlane v5, v2;
	_ =	sdelay $0x1  }
0x279: {  	v5 =	vperm.xlane v5, v4;
	v6 =	vadd.s32 v3, v6;
	_ =	sdelay $0x1  }
0x27a: {  	v5 =	vadd.s32 v3, v5;
	_ =	sdelay $0x1  }
0x27b: {  	s2 =	simm.s32 $0x15000  }
0x27c: {  	[tilespmem:s2], [sflag:$0x5] =	stream.indirect_vreg.gather [hbm4b:s7+s3], $0x80, v6, vm10, $0xb8;
	[tilespmem:$0x17000] =	vst v63  }
0x27d: {  	s2 =	simm.s32 $0x15800  }
0x27e: {  	[tilespmem:s2], [sflag:$0x5] =	stream.indirect_vreg.gather [hbm4b:s7+s3], $0x80, v5, vm10, $0xb8;
	[tilespmem:$0x17000] =	vst v63  }
0x27f: {  	v5 =	vld [tilespmem:s1+$0x0];
	_ =	sdelay $0x4  }
0x280: {  	v6 =	vshll.u32 v5, $0x1  }
0x281: {  	v5 =	vand.u32 $0x7, v5;
	v6 =	vand.u32 $0xFFFFFFF0, v6  }
0x282: {  	v5 =	vor.u32 v5, v6  }
0x283: {  	v6 =	vperm.xlane v5, v2;
	_ =	sdelay $0x1  }
0x284: {  	v5 =	vperm.xlane v5, v4;
	v6 =	vadd.s32 v3, v6;
	_ =	sdelay $0x1  }
0x285: {  	v5 =	vadd.s32 v3, v5  }
.Ltmp6:
0x286: {  	_ = 	snop;
	(pc) =	sbr.rel .LBB2_5-.Ltmp6, $4  }
0x287: {  	s2 =	simm.s32 $0x16000  }
0x288: {  	[tilespmem:s2], [sflag:$0x5] =	stream.indirect_vreg.gather [hbm4b:s7+s3], $0x80, v6, vm10, $0xb8;
	[tilespmem:$0x17000] =	vst v63  }
0x289: {  	s11 =	sadd.s32 $0x2000, s11;
	s1 =	sadd.s32 $0x100, s1;
	s2 =	simm.s32 $0x16800  }
0x28a: {  	[tilespmem:s2], [sflag:$0x5] =	stream.indirect_vreg.gather [hbm4b:s7+s3], $0x80, v5, vm10, $0xb8;
	[tilespmem:$0x17000] =	vst v63  }
.LBB2_9:
0x28b: {  	_ =	sfence.sel $0x180000  }
0x28c: {  	[bflag:$0x0] =	sbarrier.arrive $0xFFFF  }
0x28d: {  	_ =	strace $0x90000047  }
0x28e: {  	s0 =	stileid.u32;
	[bflag:$0x2] =	sbarrier.arrive $0xFFFF  }
0x28f: {  	p0 =	sne.s32 s0, $0x0;
	s0 =	rddreg [dreg:$0x8]  }
0x290: {  	s0 =	sadd.s32 @!p0 $0x100000, s0  }
0x291: {  	[sflag:s0] =	ssyncadd.tile.s32 @!p0 $0x1;
	_ =	shalt  }
.Lfunc_end2:
_tile_overlayer_lowered:
.L_overlay_start_2:
0x292: {  	(tag) =	ssettag $0x2  }
0x293: {  	s0 =	rddreg [dreg:$0x0];
	s2 =	stileid.u32  }
0x294: {  	s1 =	rddreg [dreg:$0x1];
	p0 =	sne.s32 s2, $0x0  }
0x295: {  	s3 =	rddreg [dreg:$0x2];
	[bflag:$0x3] =	sbarrier.arrive $0xFFFF;
	s2 =	simm.s32 @!p0 $0x1C0A  }
0x296: {  	[timem:s3], [sflag:s2] =	dma.local @!p0 [hbm:s0], s1  }
0x297: {  	s0 =	simm.s32 @!p0 $0xA  }
0x298: {  	_ =	swait.ge @!p0 [sflag:s0], s1  }
0x299: {  	s1 =	ssub.s32 @!p0 $0x0, s1;
	[sflag:s0] =	ssyncset.done @!p0 $0x0  }
0x29a: {  	[sflag:s0] =	ssyncadd.s32 @!p0 s1  }
0x29b: {  	[bflag:$0x3] =	sbarrier.arrive $0xFFFF  }
0x29c: {  	_ =	shalt  }

</sc_bundles>
